<compile_context>
chip_gen: v7x
topology: tpu7x:2x2x1
jax: 0.10.2.dev20260603
libtpu: 0.0.44.dev20260713+nightly
codegen_flags: <defaults>
</compile_context>

<pallas_src>
import functools

import jax
import jax.numpy as jnp
from jax import lax
from jax.experimental import pallas as pl
from jax.experimental.pallas import tpu as pltpu
from jax.experimental.pallas import tpu_sc as plsc

N = 128
L = 8
H = 8
D = 32
TW = 9
ROWS = 323
P = N * N
NW = 32
PPW = P // NW
RPW = PPW // N
PB = 16
NPB = PPW // PB


def _project_kernel(emb_ref, w_ref, o_ref):
    w = w_ref[0, :]
    w_tiled = jnp.concatenate([w] * H)
    row = lax.broadcasted_iota(jnp.int32, (H * D, TW), 0)
    col = lax.broadcasted_iota(jnp.int32, (H * D, TW), 1)
    wmat = jnp.where(col == row // D, w_tiled[:, None], 0.0)
    o_ref[...] = lax.dot_general(
        wmat,
        emb_ref[...],
        (((0,), (1,)), ((), ())),
        preferred_element_type=jnp.float32,
        precision=lax.Precision.HIGHEST,
    )


def _project(emb_table, proj_w):
    return pl.pallas_call(
        _project_kernel,
        out_shape=jax.ShapeDtypeStruct((TW, ROWS), jnp.float32),
    )(emb_table, proj_w)


def _sc_body(lca_hbm, len_hbm, t_hbm, out_hbm, idx_v, len_v, t_v, out_v,
             sem_in, sem_out):
    wid = lax.axis_index("s") * 2 + lax.axis_index("c")
    base_p = wid * PPW

    ins = [pltpu.async_copy(t_hbm, t_v, sem_in),
           pltpu.async_copy(len_hbm.at[pl.ds(base_p, PPW)], len_v, sem_in)]
    ins += [
        pltpu.async_copy(lca_hbm.at[l, pl.ds(base_p, PPW)], idx_v.at[l], sem_in)
        for l in range(L)
    ]
    for d in ins:
        d.wait()

    hcasts = [jnp.full((16,), h, jnp.int32) for h in range(H)]

    def block(pb, _):
        p0 = pb * PB
        row = p0 // N
        col = p0 % N
        lenf = len_v[pl.ds(p0, 16)].astype(jnp.float32)
        invl = 1.0 / lenf
        accs = [jnp.zeros((16,), jnp.float32) for _ in range(H)]
        for l in range(L):
            gi = idx_v[l, pl.ds(p0, 16)]
            for h in range(H):
                accs[h] = accs[h] + plsc.load_gather(t_v, [hcasts[h], gi])
        for h in range(H):
            out_v[h, row, pl.ds(col, 16)] = accs[h] * invl
        return _

    lax.fori_loop(0, NPB, block, None)

    outs = [
        pltpu.async_copy(
            out_v.at[h], out_hbm.at[h, pl.ds(wid * RPW, RPW)], sem_out
        )
        for h in range(H)
    ]
    for d in outs:
        d.wait()


@functools.partial(jax.jit, static_argnums=())
def _sc_gather(lca_t, len_flat, t):
    mesh = plsc.VectorSubcoreMesh(core_axis_name="c", subcore_axis_name="s")
    f = functools.partial(
        pl.kernel,
        out_type=jax.ShapeDtypeStruct((H, N, N), jnp.float32),
        mesh=mesh,
        scratch_types=[
            pltpu.VMEM((L, PPW), jnp.int32),
            pltpu.VMEM((PPW,), jnp.int32),
            pltpu.VMEM((TW, ROWS), jnp.float32),
            pltpu.VMEM((H, RPW, N), jnp.float32),
            pltpu.SemaphoreType.DMA,
            pltpu.SemaphoreType.DMA,
        ],
        compiler_params=pltpu.CompilerParams(needs_layout_passes=False),
    )(_sc_body)
    return f(lca_t, len_flat, t)


def kernel(agent_lca, lca_len, emb_table, proj_w):
    lca_t = agent_lca.reshape(P, L).astype(jnp.int32).T
    len_flat = lca_len.reshape(-1).astype(jnp.int32)
    t = _project(emb_table, proj_w)
    return _sc_gather(lca_t, len_flat, t)

# --- scband reference (transcript-rebuilt; emitter-appended) ---
"""Pipeline reference for scband-node-embedding-feature-68779606278855 (READ-ONLY COPY).

The authoritative reference and input builder live on the scoring server;
editing this copy changes nothing except your own understanding.
"""

import jax, jax.numpy as jnp
import numpy as np

N = 128   # agent_num
L = 8     # max LCA path length (== torch.max(lca_len))
H = 8     # attend_heads
D = 32    # embed_dim
BUS = 322 # bus_num; embedding has BUS+1 rows, padding_idx = 322


def setup_inputs(seed: int = 0):
    key = jax.random.key(seed)
    k1, k2, k3, k4 = jax.random.split(key, 4)
    # LCA node-id paths between every pair of agents; values index buses [0, BUS)
    agent_lca = jax.random.randint(k1, (N, N, L), 0, BUS, dtype=jnp.int64)
    # actual path lengths in [1, L] (min 1 avoids division by zero, as in the real data)
    lca_len = jax.random.randint(k2, (N, N), 1, L + 1, dtype=jnp.int64)
    lca_len = lca_len.at[0, 0].set(L)  # guarantee max(lca_len) == L so the view is consistent
    # nn.Embedding(bus_num+1, embed_dim*attend_heads), init N(0, 0.2), padding row zeroed
    emb_table = (jax.random.normal(k3, (BUS + 1, D * H), dtype=jnp.float32) * 0.2)
    emb_table = emb_table.at[322].set(0.0)
    # nn.Linear(embed_dim, 1, bias=False), init N(0, 0.02/sqrt(n_layers)), n_layers=6
    proj_w = jax.random.normal(k4, (1, D), dtype=jnp.float32) * (0.02 / np.sqrt(6.0))
    return {"agent_lca": agent_lca, "lca_len": lca_len,
            "emb_table": emb_table, "proj_w": proj_w}


def reference(agent_lca, lca_len, emb_table, proj_w):
    # edge_embed = node_embedding(agent_lca).view(N, N, L, H, D)
    edge_embed = jnp.take(emb_table, agent_lca.reshape(-1), axis=0)
    edge_embed = edge_embed.reshape(N, N, L, H, D)
    # mean over LCA path: sum over dim=2 divided by lca_len
    edge_embed = edge_embed.sum(axis=2) / lca_len[:, :, None, None].astype(jnp.float32)
    # proj_bias: Linear(D, 1, bias=False) -> [N, N, H, 1]
    attentive_bias = edge_embed @ proj_w.T
    # squeeze(-1).permute(2, 0, 1) -> [H, N, N]
    return jnp.transpose(jnp.squeeze(attentive_bias, -1), (2, 0, 1))

if __name__ == "__main__":
    import jax
    _d = setup_inputs()
    print(jax.jit(kernel)(*tuple(_d.values())))

</pallas_src>

<mosaic_0001>
#map = affine_map<(d0, d1) -> (0, 0)>
#map1 = affine_map<(d0, d1) -> (0)>
#map2 = affine_map<(d0, d1) -> (0, 0, 0)>
module attributes {stable_mosaic.version = 14 : i64} {
  func.func @_sc_body(%arg0: i32, %arg1: i32, %arg2: memref<8x16384xi32, #tpu.memory_space<hbm>>, %arg3: memref<16384xi32, #tpu.memory_space<hbm>>, %arg4: memref<9x323xf32, #tpu.memory_space<hbm>>, %arg5: memref<8x128x128xf32, #tpu.memory_space<hbm>>, %arg6: memref<8x512xi32, #tpu.memory_space<vmem>>, %arg7: memref<512xi32, #tpu.memory_space<vmem>>, %arg8: memref<9x323xf32, #tpu.memory_space<vmem>>, %arg9: memref<8x4x128xf32, #tpu.memory_space<vmem>>, %arg10: memref<!tpu.dma_semaphore, #tpu.memory_space<semaphore_mem>>, %arg11: memref<!tpu.dma_semaphore, #tpu.memory_space<semaphore_mem>>) attributes {dimension_semantics = [#tpu.dimension_semantics<core_parallel>, #tpu.dimension_semantics<subcore_parallel>], iteration_bounds = array<i64: 2, 16>, scalar_prefetch = 0 : i64, scratch_operands = 6 : i64, tpu.core_type = #tpu.core_type<sc_vector_subcore>, window_params = [{transform_indices = #map}, {transform_indices = #map1}, {transform_indices = #map}, {transform_indices = #map2}]} {
    %mul3A = arith.constant 2 : i32
    %mul3A_0 = arith.muli %arg1, %mul3A : i32
    %add3A = arith.addi %mul3A_0, %arg0 : i32
    %mul3A_1 = arith.constant 512 : i32
    %mul3A_2 = arith.muli %add3A, %mul3A_1 : i32
    tpu.enqueue_dma source(%arg4 : memref<9x323xf32, #tpu.memory_space<hbm>>) target(%arg8 : memref<9x323xf32, #tpu.memory_space<vmem>>) target_semaphore(%arg10 : memref<!tpu.dma_semaphore, #tpu.memory_space<semaphore_mem>>)
    %dma_start3A = tpu.memref_slice %arg3[%mul3A_2] : memref<16384xi32, #tpu.memory_space<hbm>> -> memref<512xi32, #tpu.memory_space<hbm>>
    %dma_start3A_3 = tpu.memref_slice %arg3[%mul3A_2] : memref<16384xi32, #tpu.memory_space<hbm>> -> memref<512xi32, #tpu.memory_space<hbm>>
    tpu.enqueue_dma source(%dma_start3A_3 : memref<512xi32, #tpu.memory_space<hbm>>) target(%arg7 : memref<512xi32, #tpu.memory_space<vmem>>) target_semaphore(%arg10 : memref<!tpu.dma_semaphore, #tpu.memory_space<semaphore_mem>>)
    %dma_start3A_4 = arith.constant 0 : i32
    %dma_start3A_5 = arith.constant 0 : i32
    %dma_start3A_6 = arith.constant 0 : i32
    %dma_start3A_7 = tpu.memref_slice %arg6[%dma_start3A_5, %dma_start3A_6] : memref<8x512xi32, #tpu.memory_space<vmem>> -> memref<1x512xi32, #tpu.memory_space<vmem>>
    %dma_start3A_8 = tpu.memref_squeeze %dma_start3A_7 : memref<1x512xi32, #tpu.memory_space<vmem>> -> memref<512xi32, #tpu.memory_space<vmem>>
    %dma_start3A_9 = tpu.memref_slice %arg2[%dma_start3A_4, %mul3A_2] : memref<8x16384xi32, #tpu.memory_space<hbm>> -> memref<1x512xi32, #tpu.memory_space<hbm>>
    %dma_start3A_10 = tpu.memref_squeeze %dma_start3A_9 : memref<1x512xi32, #tpu.memory_space<hbm>> -> memref<512xi32, #tpu.memory_space<hbm>>
    %dma_start3A_11 = arith.constant 0 : i32
    %dma_start3A_12 = tpu.memref_slice %arg6[%dma_start3A_5, %dma_start3A_11] : memref<8x512xi32, #tpu.memory_space<vmem>> -> memref<1x512xi32, #tpu.memory_space<vmem>>
    %dma_start3A_13 = tpu.memref_squeeze %dma_start3A_12 : memref<1x512xi32, #tpu.memory_space<vmem>> -> memref<512xi32, #tpu.memory_space<vmem>>
    %dma_start3A_14 = tpu.memref_slice %arg2[%dma_start3A_4, %mul3A_2] : memref<8x16384xi32, #tpu.memory_space<hbm>> -> memref<1x512xi32, #tpu.memory_space<hbm>>
    %dma_start3A_15 = tpu.memref_squeeze %dma_start3A_14 : memref<1x512xi32, #tpu.memory_space<hbm>> -> memref<512xi32, #tpu.memory_space<hbm>>
    tpu.enqueue_dma source(%dma_start3A_15 : memref<512xi32, #tpu.memory_space<hbm>>) target(%dma_start3A_13 : memref<512xi32, #tpu.memory_space<vmem>>) target_semaphore(%arg10 : memref<!tpu.dma_semaphore, #tpu.memory_space<semaphore_mem>>)
    %dma_start3A_16 = arith.constant 1 : i32
    %dma_start3A_17 = arith.constant 1 : i32
    %dma_start3A_18 = arith.constant 0 : i32
    %dma_start3A_19 = tpu.memref_slice %arg6[%dma_start3A_17, %dma_start3A_18] : memref<8x512xi32, #tpu.memory_space<vmem>> -> memref<1x512xi32, #tpu.memory_space<vmem>>
    %dma_start3A_20 = tpu.memref_squeeze %dma_start3A_19 : memref<1x512xi32, #tpu.memory_space<vmem>> -> memref<512xi32, #tpu.memory_space<vmem>>
    %dma_start3A_21 = tpu.memref_slice %arg2[%dma_start3A_16, %mul3A_2] : memref<8x16384xi32, #tpu.memory_space<hbm>> -> memref<1x512xi32, #tpu.memory_space<hbm>>
    %dma_start3A_22 = tpu.memref_squeeze %dma_start3A_21 : memref<1x512xi32, #tpu.memory_space<hbm>> -> memref<512xi32, #tpu.memory_space<hbm>>
    %dma_start3A_23 = arith.constant 0 : i32
    %dma_start3A_24 = tpu.memref_slice %arg6[%dma_start3A_17, %dma_start3A_23] : memref<8x512xi32, #tpu.memory_space<vmem>> -> memref<1x512xi32, #tpu.memory_space<vmem>>
    %dma_start3A_25 = tpu.memref_squeeze %dma_start3A_24 : memref<1x512xi32, #tpu.memory_space<vmem>> -> memref<512xi32, #tpu.memory_space<vmem>>
    %dma_start3A_26 = tpu.memref_slice %arg2[%dma_start3A_16, %mul3A_2] : memref<8x16384xi32, #tpu.memory_space<hbm>> -> memref<1x512xi32, #tpu.memory_space<hbm>>
    %dma_start3A_27 = tpu.memref_squeeze %dma_start3A_26 : memref<1x512xi32, #tpu.memory_space<hbm>> -> memref<512xi32, #tpu.memory_space<hbm>>
    tpu.enqueue_dma source(%dma_start3A_27 : memref<512xi32, #tpu.memory_space<hbm>>) target(%dma_start3A_25 : memref<512xi32, #tpu.memory_space<vmem>>) target_semaphore(%arg10 : memref<!tpu.dma_semaphore, #tpu.memory_space<semaphore_mem>>)
    %dma_start3A_28 = arith.constant 2 : i32
    %dma_start3A_29 = arith.constant 2 : i32
    %dma_start3A_30 = arith.constant 0 : i32
    %dma_start3A_31 = tpu.memref_slice %arg6[%dma_start3A_29, %dma_start3A_30] : memref<8x512xi32, #tpu.memory_space<vmem>> -> memref<1x512xi32, #tpu.memory_space<vmem>>
    %dma_start3A_32 = tpu.memref_squeeze %dma_start3A_31 : memref<1x512xi32, #tpu.memory_space<vmem>> -> memref<512xi32, #tpu.memory_space<vmem>>
    %dma_start3A_33 = tpu.memref_slice %arg2[%dma_start3A_28, %mul3A_2] : memref<8x16384xi32, #tpu.memory_space<hbm>> -> memref<1x512xi32, #tpu.memory_space<hbm>>
    %dma_start3A_34 = tpu.memref_squeeze %dma_start3A_33 : memref<1x512xi32, #tpu.memory_space<hbm>> -> memref<512xi32, #tpu.memory_space<hbm>>
    %dma_start3A_35 = arith.constant 0 : i32
    %dma_start3A_36 = tpu.memref_slice %arg6[%dma_start3A_29, %dma_start3A_35] : memref<8x512xi32, #tpu.memory_space<vmem>> -> memref<1x512xi32, #tpu.memory_space<vmem>>
    %dma_start3A_37 = tpu.memref_squeeze %dma_start3A_36 : memref<1x512xi32, #tpu.memory_space<vmem>> -> memref<512xi32, #tpu.memory_space<vmem>>
    %dma_start3A_38 = tpu.memref_slice %arg2[%dma_start3A_28, %mul3A_2] : memref<8x16384xi32, #tpu.memory_space<hbm>> -> memref<1x512xi32, #tpu.memory_space<hbm>>
    %dma_start3A_39 = tpu.memref_squeeze %dma_start3A_38 : memref<1x512xi32, #tpu.memory_space<hbm>> -> memref<512xi32, #tpu.memory_space<hbm>>
    tpu.enqueue_dma source(%dma_start3A_39 : memref<512xi32, #tpu.memory_space<hbm>>) target(%dma_start3A_37 : memref<512xi32, #tpu.memory_space<vmem>>) target_semaphore(%arg10 : memref<!tpu.dma_semaphore, #tpu.memory_space<semaphore_mem>>)
    %dma_start3A_40 = arith.constant 3 : i32
    %dma_start3A_41 = arith.constant 3 : i32
    %dma_start3A_42 = arith.constant 0 : i32
    %dma_start3A_43 = tpu.memref_slice %arg6[%dma_start3A_41, %dma_start3A_42] : memref<8x512xi32, #tpu.memory_space<vmem>> -> memref<1x512xi32, #tpu.memory_space<vmem>>
    %dma_start3A_44 = tpu.memref_squeeze %dma_start3A_43 : memref<1x512xi32, #tpu.memory_space<vmem>> -> memref<512xi32, #tpu.memory_space<vmem>>
    %dma_start3A_45 = tpu.memref_slice %arg2[%dma_start3A_40, %mul3A_2] : memref<8x16384xi32, #tpu.memory_space<hbm>> -> memref<1x512xi32, #tpu.memory_space<hbm>>
    %dma_start3A_46 = tpu.memref_squeeze %dma_start3A_45 : memref<1x512xi32, #tpu.memory_space<hbm>> -> memref<512xi32, #tpu.memory_space<hbm>>
    %dma_start3A_47 = arith.constant 0 : i32
    %dma_start3A_48 = tpu.memref_slice %arg6[%dma_start3A_41, %dma_start3A_47] : memref<8x512xi32, #tpu.memory_space<vmem>> -> memref<1x512xi32, #tpu.memory_space<vmem>>
    %dma_start3A_49 = tpu.memref_squeeze %dma_start3A_48 : memref<1x512xi32, #tpu.memory_space<vmem>> -> memref<512xi32, #tpu.memory_space<vmem>>
    %dma_start3A_50 = tpu.memref_slice %arg2[%dma_start3A_40, %mul3A_2] : memref<8x16384xi32, #tpu.memory_space<hbm>> -> memref<1x512xi32, #tpu.memory_space<hbm>>
    %dma_start3A_51 = tpu.memref_squeeze %dma_start3A_50 : memref<1x512xi32, #tpu.memory_space<hbm>> -> memref<512xi32, #tpu.memory_space<hbm>>
    tpu.enqueue_dma source(%dma_start3A_51 : memref<512xi32, #tpu.memory_space<hbm>>) target(%dma_start3A_49 : memref<512xi32, #tpu.memory_space<vmem>>) target_semaphore(%arg10 : memref<!tpu.dma_semaphore, #tpu.memory_space<semaphore_mem>>)
    %dma_start3A_52 = arith.constant 4 : i32
    %dma_start3A_53 = arith.constant 4 : i32
    %dma_start3A_54 = arith.constant 0 : i32
    %dma_start3A_55 = tpu.memref_slice %arg6[%dma_start3A_53, %dma_start3A_54] : memref<8x512xi32, #tpu.memory_space<vmem>> -> memref<1x512xi32, #tpu.memory_space<vmem>>
    %dma_start3A_56 = tpu.memref_squeeze %dma_start3A_55 : memref<1x512xi32, #tpu.memory_space<vmem>> -> memref<512xi32, #tpu.memory_space<vmem>>
    %dma_start3A_57 = tpu.memref_slice %arg2[%dma_start3A_52, %mul3A_2] : memref<8x16384xi32, #tpu.memory_space<hbm>> -> memref<1x512xi32, #tpu.memory_space<hbm>>
    %dma_start3A_58 = tpu.memref_squeeze %dma_start3A_57 : memref<1x512xi32, #tpu.memory_space<hbm>> -> memref<512xi32, #tpu.memory_space<hbm>>
    %dma_start3A_59 = arith.constant 0 : i32
    %dma_start3A_60 = tpu.memref_slice %arg6[%dma_start3A_53, %dma_start3A_59] : memref<8x512xi32, #tpu.memory_space<vmem>> -> memref<1x512xi32, #tpu.memory_space<vmem>>
    %dma_start3A_61 = tpu.memref_squeeze %dma_start3A_60 : memref<1x512xi32, #tpu.memory_space<vmem>> -> memref<512xi32, #tpu.memory_space<vmem>>
    %dma_start3A_62 = tpu.memref_slice %arg2[%dma_start3A_52, %mul3A_2] : memref<8x16384xi32, #tpu.memory_space<hbm>> -> memref<1x512xi32, #tpu.memory_space<hbm>>
    %dma_start3A_63 = tpu.memref_squeeze %dma_start3A_62 : memref<1x512xi32, #tpu.memory_space<hbm>> -> memref<512xi32, #tpu.memory_space<hbm>>
    tpu.enqueue_dma source(%dma_start3A_63 : memref<512xi32, #tpu.memory_space<hbm>>) target(%dma_start3A_61 : memref<512xi32, #tpu.memory_space<vmem>>) target_semaphore(%arg10 : memref<!tpu.dma_semaphore, #tpu.memory_space<semaphore_mem>>)
    %dma_start3A_64 = arith.constant 5 : i32
    %dma_start3A_65 = arith.constant 5 : i32
    %dma_start3A_66 = arith.constant 0 : i32
    %dma_start3A_67 = tpu.memref_slice %arg6[%dma_start3A_65, %dma_start3A_66] : memref<8x512xi32, #tpu.memory_space<vmem>> -> memref<1x512xi32, #tpu.memory_space<vmem>>
    %dma_start3A_68 = tpu.memref_squeeze %dma_start3A_67 : memref<1x512xi32, #tpu.memory_space<vmem>> -> memref<512xi32, #tpu.memory_space<vmem>>
    %dma_start3A_69 = tpu.memref_slice %arg2[%dma_start3A_64, %mul3A_2] : memref<8x16384xi32, #tpu.memory_space<hbm>> -> memref<1x512xi32, #tpu.memory_space<hbm>>
    %dma_start3A_70 = tpu.memref_squeeze %dma_start3A_69 : memref<1x512xi32, #tpu.memory_space<hbm>> -> memref<512xi32, #tpu.memory_space<hbm>>
    %dma_start3A_71 = arith.constant 0 : i32
    %dma_start3A_72 = tpu.memref_slice %arg6[%dma_start3A_65, %dma_start3A_71] : memref<8x512xi32, #tpu.memory_space<vmem>> -> memref<1x512xi32, #tpu.memory_space<vmem>>
    %dma_start3A_73 = tpu.memref_squeeze %dma_start3A_72 : memref<1x512xi32, #tpu.memory_space<vmem>> -> memref<512xi32, #tpu.memory_space<vmem>>
    %dma_start3A_74 = tpu.memref_slice %arg2[%dma_start3A_64, %mul3A_2] : memref<8x16384xi32, #tpu.memory_space<hbm>> -> memref<1x512xi32, #tpu.memory_space<hbm>>
    %dma_start3A_75 = tpu.memref_squeeze %dma_start3A_74 : memref<1x512xi32, #tpu.memory_space<hbm>> -> memref<512xi32, #tpu.memory_space<hbm>>
    tpu.enqueue_dma source(%dma_start3A_75 : memref<512xi32, #tpu.memory_space<hbm>>) target(%dma_start3A_73 : memref<512xi32, #tpu.memory_space<vmem>>) target_semaphore(%arg10 : memref<!tpu.dma_semaphore, #tpu.memory_space<semaphore_mem>>)
    %dma_start3A_76 = arith.constant 6 : i32
    %dma_start3A_77 = arith.constant 6 : i32
    %dma_start3A_78 = arith.constant 0 : i32
    %dma_start3A_79 = tpu.memref_slice %arg6[%dma_start3A_77, %dma_start3A_78] : memref<8x512xi32, #tpu.memory_space<vmem>> -> memref<1x512xi32, #tpu.memory_space<vmem>>
    %dma_start3A_80 = tpu.memref_squeeze %dma_start3A_79 : memref<1x512xi32, #tpu.memory_space<vmem>> -> memref<512xi32, #tpu.memory_space<vmem>>
    %dma_start3A_81 = tpu.memref_slice %arg2[%dma_start3A_76, %mul3A_2] : memref<8x16384xi32, #tpu.memory_space<hbm>> -> memref<1x512xi32, #tpu.memory_space<hbm>>
    %dma_start3A_82 = tpu.memref_squeeze %dma_start3A_81 : memref<1x512xi32, #tpu.memory_space<hbm>> -> memref<512xi32, #tpu.memory_space<hbm>>
    %dma_start3A_83 = arith.constant 0 : i32
    %dma_start3A_84 = tpu.memref_slice %arg6[%dma_start3A_77, %dma_start3A_83] : memref<8x512xi32, #tpu.memory_space<vmem>> -> memref<1x512xi32, #tpu.memory_space<vmem>>
    %dma_start3A_85 = tpu.memref_squeeze %dma_start3A_84 : memref<1x512xi32, #tpu.memory_space<vmem>> -> memref<512xi32, #tpu.memory_space<vmem>>
    %dma_start3A_86 = tpu.memref_slice %arg2[%dma_start3A_76, %mul3A_2] : memref<8x16384xi32, #tpu.memory_space<hbm>> -> memref<1x512xi32, #tpu.memory_space<hbm>>
    %dma_start3A_87 = tpu.memref_squeeze %dma_start3A_86 : memref<1x512xi32, #tpu.memory_space<hbm>> -> memref<512xi32, #tpu.memory_space<hbm>>
    tpu.enqueue_dma source(%dma_start3A_87 : memref<512xi32, #tpu.memory_space<hbm>>) target(%dma_start3A_85 : memref<512xi32, #tpu.memory_space<vmem>>) target_semaphore(%arg10 : memref<!tpu.dma_semaphore, #tpu.memory_space<semaphore_mem>>)
    %dma_start3A_88 = arith.constant 7 : i32
    %dma_start3A_89 = arith.constant 7 : i32
    %dma_start3A_90 = arith.constant 0 : i32
    %dma_start3A_91 = tpu.memref_slice %arg6[%dma_start3A_89, %dma_start3A_90] : memref<8x512xi32, #tpu.memory_space<vmem>> -> memref<1x512xi32, #tpu.memory_space<vmem>>
    %dma_start3A_92 = tpu.memref_squeeze %dma_start3A_91 : memref<1x512xi32, #tpu.memory_space<vmem>> -> memref<512xi32, #tpu.memory_space<vmem>>
    %dma_start3A_93 = tpu.memref_slice %arg2[%dma_start3A_88, %mul3A_2] : memref<8x16384xi32, #tpu.memory_space<hbm>> -> memref<1x512xi32, #tpu.memory_space<hbm>>
    %dma_start3A_94 = tpu.memref_squeeze %dma_start3A_93 : memref<1x512xi32, #tpu.memory_space<hbm>> -> memref<512xi32, #tpu.memory_space<hbm>>
    %dma_start3A_95 = arith.constant 0 : i32
    %dma_start3A_96 = tpu.memref_slice %arg6[%dma_start3A_89, %dma_start3A_95] : memref<8x512xi32, #tpu.memory_space<vmem>> -> memref<1x512xi32, #tpu.memory_space<vmem>>
    %dma_start3A_97 = tpu.memref_squeeze %dma_start3A_96 : memref<1x512xi32, #tpu.memory_space<vmem>> -> memref<512xi32, #tpu.memory_space<vmem>>
    %dma_start3A_98 = tpu.memref_slice %arg2[%dma_start3A_88, %mul3A_2] : memref<8x16384xi32, #tpu.memory_space<hbm>> -> memref<1x512xi32, #tpu.memory_space<hbm>>
    %dma_start3A_99 = tpu.memref_squeeze %dma_start3A_98 : memref<1x512xi32, #tpu.memory_space<hbm>> -> memref<512xi32, #tpu.memory_space<hbm>>
    tpu.enqueue_dma source(%dma_start3A_99 : memref<512xi32, #tpu.memory_space<hbm>>) target(%dma_start3A_97 : memref<512xi32, #tpu.memory_space<vmem>>) target_semaphore(%arg10 : memref<!tpu.dma_semaphore, #tpu.memory_space<semaphore_mem>>)
    tpu.wait_dma2 semaphore(%arg10 : memref<!tpu.dma_semaphore, #tpu.memory_space<semaphore_mem>>) src(%arg4 : memref<9x323xf32, #tpu.memory_space<hbm>>) dst(%arg8 : memref<9x323xf32, #tpu.memory_space<vmem>>)
    %dma_wait3A = tpu.memref_slice %arg3[%mul3A_2] : memref<16384xi32, #tpu.memory_space<hbm>> -> memref<512xi32, #tpu.memory_space<hbm>>
    %dma_wait3A_100 = tpu.memref_slice %arg3[%mul3A_2] : memref<16384xi32, #tpu.memory_space<hbm>> -> memref<512xi32, #tpu.memory_space<hbm>>
    tpu.wait_dma2 semaphore(%arg10 : memref<!tpu.dma_semaphore, #tpu.memory_space<semaphore_mem>>) src(%dma_wait3A_100 : memref<512xi32, #tpu.memory_space<hbm>>) dst(%arg7 : memref<512xi32, #tpu.memory_space<vmem>>)
    %dma_wait3A_101 = arith.constant 0 : i32
    %dma_wait3A_102 = arith.constant 0 : i32
    %dma_wait3A_103 = arith.constant 0 : i32
    %dma_wait3A_104 = tpu.memref_slice %arg6[%dma_wait3A_102, %dma_wait3A_103] : memref<8x512xi32, #tpu.memory_space<vmem>> -> memref<1x512xi32, #tpu.memory_space<vmem>>
    %dma_wait3A_105 = tpu.memref_squeeze %dma_wait3A_104 : memref<1x512xi32, #tpu.memory_space<vmem>> -> memref<512xi32, #tpu.memory_space<vmem>>
    %dma_wait3A_106 = tpu.memref_slice %arg2[%dma_wait3A_101, %mul3A_2] : memref<8x16384xi32, #tpu.memory_space<hbm>> -> memref<1x512xi32, #tpu.memory_space<hbm>>
    %dma_wait3A_107 = tpu.memref_squeeze %dma_wait3A_106 : memref<1x512xi32, #tpu.memory_space<hbm>> -> memref<512xi32, #tpu.memory_space<hbm>>
    %dma_wait3A_108 = arith.constant 0 : i32
    %dma_wait3A_109 = tpu.memref_slice %arg6[%dma_wait3A_102, %dma_wait3A_108] : memref<8x512xi32, #tpu.memory_space<vmem>> -> memref<1x512xi32, #tpu.memory_space<vmem>>
    %dma_wait3A_110 = tpu.memref_squeeze %dma_wait3A_109 : memref<1x512xi32, #tpu.memory_space<vmem>> -> memref<512xi32, #tpu.memory_space<vmem>>
    %dma_wait3A_111 = tpu.memref_slice %arg2[%dma_wait3A_101, %mul3A_2] : memref<8x16384xi32, #tpu.memory_space<hbm>> -> memref<1x512xi32, #tpu.memory_space<hbm>>
    %dma_wait3A_112 = tpu.memref_squeeze %dma_wait3A_111 : memref<1x512xi32, #tpu.memory_space<hbm>> -> memref<512xi32, #tpu.memory_space<hbm>>
    tpu.wait_dma2 semaphore(%arg10 : memref<!tpu.dma_semaphore, #tpu.memory_space<semaphore_mem>>) src(%dma_wait3A_112 : memref<512xi32, #tpu.memory_space<hbm>>) dst(%dma_wait3A_110 : memref<512xi32, #tpu.memory_space<vmem>>)
    %dma_wait3A_113 = arith.constant 1 : i32
    %dma_wait3A_114 = arith.constant 1 : i32
    %dma_wait3A_115 = arith.constant 0 : i32
    %dma_wait3A_116 = tpu.memref_slice %arg6[%dma_wait3A_114, %dma_wait3A_115] : memref<8x512xi32, #tpu.memory_space<vmem>> -> memref<1x512xi32, #tpu.memory_space<vmem>>
    %dma_wait3A_117 = tpu.memref_squeeze %dma_wait3A_116 : memref<1x512xi32, #tpu.memory_space<vmem>> -> memref<512xi32, #tpu.memory_space<vmem>>
    %dma_wait3A_118 = tpu.memref_slice %arg2[%dma_wait3A_113, %mul3A_2] : memref<8x16384xi32, #tpu.memory_space<hbm>> -> memref<1x512xi32, #tpu.memory_space<hbm>>
    %dma_wait3A_119 = tpu.memref_squeeze %dma_wait3A_118 : memref<1x512xi32, #tpu.memory_space<hbm>> -> memref<512xi32, #tpu.memory_space<hbm>>
    %dma_wait3A_120 = arith.constant 0 : i32
    %dma_wait3A_121 = tpu.memref_slice %arg6[%dma_wait3A_114, %dma_wait3A_120] : memref<8x512xi32, #tpu.memory_space<vmem>> -> memref<1x512xi32, #tpu.memory_space<vmem>>
    %dma_wait3A_122 = tpu.memref_squeeze %dma_wait3A_121 : memref<1x512xi32, #tpu.memory_space<vmem>> -> memref<512xi32, #tpu.memory_space<vmem>>
    %dma_wait3A_123 = tpu.memref_slice %arg2[%dma_wait3A_113, %mul3A_2] : memref<8x16384xi32, #tpu.memory_space<hbm>> -> memref<1x512xi32, #tpu.memory_space<hbm>>
    %dma_wait3A_124 = tpu.memref_squeeze %dma_wait3A_123 : memref<1x512xi32, #tpu.memory_space<hbm>> -> memref<512xi32, #tpu.memory_space<hbm>>
    tpu.wait_dma2 semaphore(%arg10 : memref<!tpu.dma_semaphore, #tpu.memory_space<semaphore_mem>>) src(%dma_wait3A_124 : memref<512xi32, #tpu.memory_space<hbm>>) dst(%dma_wait3A_122 : memref<512xi32, #tpu.memory_space<vmem>>)
    %dma_wait3A_125 = arith.constant 2 : i32
    %dma_wait3A_126 = arith.constant 2 : i32
    %dma_wait3A_127 = arith.constant 0 : i32
    %dma_wait3A_128 = tpu.memref_slice %arg6[%dma_wait3A_126, %dma_wait3A_127] : memref<8x512xi32, #tpu.memory_space<vmem>> -> memref<1x512xi32, #tpu.memory_space<vmem>>
    %dma_wait3A_129 = tpu.memref_squeeze %dma_wait3A_128 : memref<1x512xi32, #tpu.memory_space<vmem>> -> memref<512xi32, #tpu.memory_space<vmem>>
    %dma_wait3A_130 = tpu.memref_slice %arg2[%dma_wait3A_125, %mul3A_2] : memref<8x16384xi32, #tpu.memory_space<hbm>> -> memref<1x512xi32, #tpu.memory_space<hbm>>
    %dma_wait3A_131 = tpu.memref_squeeze %dma_wait3A_130 : memref<1x512xi32, #tpu.memory_space<hbm>> -> memref<512xi32, #tpu.memory_space<hbm>>
    %dma_wait3A_132 = arith.constant 0 : i32
    %dma_wait3A_133 = tpu.memref_slice %arg6[%dma_wait3A_126, %dma_wait3A_132] : memref<8x512xi32, #tpu.memory_space<vmem>> -> memref<1x512xi32, #tpu.memory_space<vmem>>
    %dma_wait3A_134 = tpu.memref_squeeze %dma_wait3A_133 : memref<1x512xi32, #tpu.memory_space<vmem>> -> memref<512xi32, #tpu.memory_space<vmem>>
    %dma_wait3A_135 = tpu.memref_slice %arg2[%dma_wait3A_125, %mul3A_2] : memref<8x16384xi32, #tpu.memory_space<hbm>> -> memref<1x512xi32, #tpu.memory_space<hbm>>
    %dma_wait3A_136 = tpu.memref_squeeze %dma_wait3A_135 : memref<1x512xi32, #tpu.memory_space<hbm>> -> memref<512xi32, #tpu.memory_space<hbm>>
    tpu.wait_dma2 semaphore(%arg10 : memref<!tpu.dma_semaphore, #tpu.memory_space<semaphore_mem>>) src(%dma_wait3A_136 : memref<512xi32, #tpu.memory_space<hbm>>) dst(%dma_wait3A_134 : memref<512xi32, #tpu.memory_space<vmem>>)
    %dma_wait3A_137 = arith.constant 3 : i32
    %dma_wait3A_138 = arith.constant 3 : i32
    %dma_wait3A_139 = arith.constant 0 : i32
    %dma_wait3A_140 = tpu.memref_slice %arg6[%dma_wait3A_138, %dma_wait3A_139] : memref<8x512xi32, #tpu.memory_space<vmem>> -> memref<1x512xi32, #tpu.memory_space<vmem>>
    %dma_wait3A_141 = tpu.memref_squeeze %dma_wait3A_140 : memref<1x512xi32, #tpu.memory_space<vmem>> -> memref<512xi32, #tpu.memory_space<vmem>>
    %dma_wait3A_142 = tpu.memref_slice %arg2[%dma_wait3A_137, %mul3A_2] : memref<8x16384xi32, #tpu.memory_space<hbm>> -> memref<1x512xi32, #tpu.memory_space<hbm>>
    %dma_wait3A_143 = tpu.memref_squeeze %dma_wait3A_142 : memref<1x512xi32, #tpu.memory_space<hbm>> -> memref<512xi32, #tpu.memory_space<hbm>>
    %dma_wait3A_144 = arith.constant 0 : i32
    %dma_wait3A_145 = tpu.memref_slice %arg6[%dma_wait3A_138, %dma_wait3A_144] : memref<8x512xi32, #tpu.memory_space<vmem>> -> memref<1x512xi32, #tpu.memory_space<vmem>>
    %dma_wait3A_146 = tpu.memref_squeeze %dma_wait3A_145 : memref<1x512xi32, #tpu.memory_space<vmem>> -> memref<512xi32, #tpu.memory_space<vmem>>
    %dma_wait3A_147 = tpu.memref_slice %arg2[%dma_wait3A_137, %mul3A_2] : memref<8x16384xi32, #tpu.memory_space<hbm>> -> memref<1x512xi32, #tpu.memory_space<hbm>>
    %dma_wait3A_148 = tpu.memref_squeeze %dma_wait3A_147 : memref<1x512xi32, #tpu.memory_space<hbm>> -> memref<512xi32, #tpu.memory_space<hbm>>
    tpu.wait_dma2 semaphore(%arg10 : memref<!tpu.dma_semaphore, #tpu.memory_space<semaphore_mem>>) src(%dma_wait3A_148 : memref<512xi32, #tpu.memory_space<hbm>>) dst(%dma_wait3A_146 : memref<512xi32, #tpu.memory_space<vmem>>)
    %dma_wait3A_149 = arith.constant 4 : i32
    %dma_wait3A_150 = arith.constant 4 : i32
    %dma_wait3A_151 = arith.constant 0 : i32
    %dma_wait3A_152 = tpu.memref_slice %arg6[%dma_wait3A_150, %dma_wait3A_151] : memref<8x512xi32, #tpu.memory_space<vmem>> -> memref<1x512xi32, #tpu.memory_space<vmem>>
    %dma_wait3A_153 = tpu.memref_squeeze %dma_wait3A_152 : memref<1x512xi32, #tpu.memory_space<vmem>> -> memref<512xi32, #tpu.memory_space<vmem>>
    %dma_wait3A_154 = tpu.memref_slice %arg2[%dma_wait3A_149, %mul3A_2] : memref<8x16384xi32, #tpu.memory_space<hbm>> -> memref<1x512xi32, #tpu.memory_space<hbm>>
    %dma_wait3A_155 = tpu.memref_squeeze %dma_wait3A_154 : memref<1x512xi32, #tpu.memory_space<hbm>> -> memref<512xi32, #tpu.memory_space<hbm>>
    %dma_wait3A_156 = arith.constant 0 : i32
    %dma_wait3A_157 = tpu.memref_slice %arg6[%dma_wait3A_150, %dma_wait3A_156] : memref<8x512xi32, #tpu.memory_space<vmem>> -> memref<1x512xi32, #tpu.memory_space<vmem>>
    %dma_wait3A_158 = tpu.memref_squeeze %dma_wait3A_157 : memref<1x512xi32, #tpu.memory_space<vmem>> -> memref<512xi32, #tpu.memory_space<vmem>>
    %dma_wait3A_159 = tpu.memref_slice %arg2[%dma_wait3A_149, %mul3A_2] : memref<8x16384xi32, #tpu.memory_space<hbm>> -> memref<1x512xi32, #tpu.memory_space<hbm>>
    %dma_wait3A_160 = tpu.memref_squeeze %dma_wait3A_159 : memref<1x512xi32, #tpu.memory_space<hbm>> -> memref<512xi32, #tpu.memory_space<hbm>>
    tpu.wait_dma2 semaphore(%arg10 : memref<!tpu.dma_semaphore, #tpu.memory_space<semaphore_mem>>) src(%dma_wait3A_160 : memref<512xi32, #tpu.memory_space<hbm>>) dst(%dma_wait3A_158 : memref<512xi32, #tpu.memory_space<vmem>>)
    %dma_wait3A_161 = arith.constant 5 : i32
    %dma_wait3A_162 = arith.constant 5 : i32
    %dma_wait3A_163 = arith.constant 0 : i32
    %dma_wait3A_164 = tpu.memref_slice %arg6[%dma_wait3A_162, %dma_wait3A_163] : memref<8x512xi32, #tpu.memory_space<vmem>> -> memref<1x512xi32, #tpu.memory_space<vmem>>
    %dma_wait3A_165 = tpu.memref_squeeze %dma_wait3A_164 : memref<1x512xi32, #tpu.memory_space<vmem>> -> memref<512xi32, #tpu.memory_space<vmem>>
    %dma_wait3A_166 = tpu.memref_slice %arg2[%dma_wait3A_161, %mul3A_2] : memref<8x16384xi32, #tpu.memory_space<hbm>> -> memref<1x512xi32, #tpu.memory_space<hbm>>
    %dma_wait3A_167 = tpu.memref_squeeze %dma_wait3A_166 : memref<1x512xi32, #tpu.memory_space<hbm>> -> memref<512xi32, #tpu.memory_space<hbm>>
    %dma_wait3A_168 = arith.constant 0 : i32
    %dma_wait3A_169 = tpu.memref_slice %arg6[%dma_wait3A_162, %dma_wait3A_168] : memref<8x512xi32, #tpu.memory_space<vmem>> -> memref<1x512xi32, #tpu.memory_space<vmem>>
    %dma_wait3A_170 = tpu.memref_squeeze %dma_wait3A_169 : memref<1x512xi32, #tpu.memory_space<vmem>> -> memref<512xi32, #tpu.memory_space<vmem>>
    %dma_wait3A_171 = tpu.memref_slice %arg2[%dma_wait3A_161, %mul3A_2] : memref<8x16384xi32, #tpu.memory_space<hbm>> -> memref<1x512xi32, #tpu.memory_space<hbm>>
    %dma_wait3A_172 = tpu.memref_squeeze %dma_wait3A_171 : memref<1x512xi32, #tpu.memory_space<hbm>> -> memref<512xi32, #tpu.memory_space<hbm>>
    tpu.wait_dma2 semaphore(%arg10 : memref<!tpu.dma_semaphore, #tpu.memory_space<semaphore_mem>>) src(%dma_wait3A_172 : memref<512xi32, #tpu.memory_space<hbm>>) dst(%dma_wait3A_170 : memref<512xi32, #tpu.memory_space<vmem>>)
    %dma_wait3A_173 = arith.constant 6 : i32
    %dma_wait3A_174 = arith.constant 6 : i32
    %dma_wait3A_175 = arith.constant 0 : i32
    %dma_wait3A_176 = tpu.memref_slice %arg6[%dma_wait3A_174, %dma_wait3A_175] : memref<8x512xi32, #tpu.memory_space<vmem>> -> memref<1x512xi32, #tpu.memory_space<vmem>>
    %dma_wait3A_177 = tpu.memref_squeeze %dma_wait3A_176 : memref<1x512xi32, #tpu.memory_space<vmem>> -> memref<512xi32, #tpu.memory_space<vmem>>
    %dma_wait3A_178 = tpu.memref_slice %arg2[%dma_wait3A_173, %mul3A_2] : memref<8x16384xi32, #tpu.memory_space<hbm>> -> memref<1x512xi32, #tpu.memory_space<hbm>>
    %dma_wait3A_179 = tpu.memref_squeeze %dma_wait3A_178 : memref<1x512xi32, #tpu.memory_space<hbm>> -> memref<512xi32, #tpu.memory_space<hbm>>
    %dma_wait3A_180 = arith.constant 0 : i32
    %dma_wait3A_181 = tpu.memref_slice %arg6[%dma_wait3A_174, %dma_wait3A_180] : memref<8x512xi32, #tpu.memory_space<vmem>> -> memref<1x512xi32, #tpu.memory_space<vmem>>
    %dma_wait3A_182 = tpu.memref_squeeze %dma_wait3A_181 : memref<1x512xi32, #tpu.memory_space<vmem>> -> memref<512xi32, #tpu.memory_space<vmem>>
    %dma_wait3A_183 = tpu.memref_slice %arg2[%dma_wait3A_173, %mul3A_2] : memref<8x16384xi32, #tpu.memory_space<hbm>> -> memref<1x512xi32, #tpu.memory_space<hbm>>
    %dma_wait3A_184 = tpu.memref_squeeze %dma_wait3A_183 : memref<1x512xi32, #tpu.memory_space<hbm>> -> memref<512xi32, #tpu.memory_space<hbm>>
    tpu.wait_dma2 semaphore(%arg10 : memref<!tpu.dma_semaphore, #tpu.memory_space<semaphore_mem>>) src(%dma_wait3A_184 : memref<512xi32, #tpu.memory_space<hbm>>) dst(%dma_wait3A_182 : memref<512xi32, #tpu.memory_space<vmem>>)
    %dma_wait3A_185 = arith.constant 7 : i32
    %dma_wait3A_186 = arith.constant 7 : i32
    %dma_wait3A_187 = arith.constant 0 : i32
    %dma_wait3A_188 = tpu.memref_slice %arg6[%dma_wait3A_186, %dma_wait3A_187] : memref<8x512xi32, #tpu.memory_space<vmem>> -> memref<1x512xi32, #tpu.memory_space<vmem>>
    %dma_wait3A_189 = tpu.memref_squeeze %dma_wait3A_188 : memref<1x512xi32, #tpu.memory_space<vmem>> -> memref<512xi32, #tpu.memory_space<vmem>>
    %dma_wait3A_190 = tpu.memref_slice %arg2[%dma_wait3A_185, %mul3A_2] : memref<8x16384xi32, #tpu.memory_space<hbm>> -> memref<1x512xi32, #tpu.memory_space<hbm>>
    %dma_wait3A_191 = tpu.memref_squeeze %dma_wait3A_190 : memref<1x512xi32, #tpu.memory_space<hbm>> -> memref<512xi32, #tpu.memory_space<hbm>>
    %dma_wait3A_192 = arith.constant 0 : i32
    %dma_wait3A_193 = tpu.memref_slice %arg6[%dma_wait3A_186, %dma_wait3A_192] : memref<8x512xi32, #tpu.memory_space<vmem>> -> memref<1x512xi32, #tpu.memory_space<vmem>>
    %dma_wait3A_194 = tpu.memref_squeeze %dma_wait3A_193 : memref<1x512xi32, #tpu.memory_space<vmem>> -> memref<512xi32, #tpu.memory_space<vmem>>
    %dma_wait3A_195 = tpu.memref_slice %arg2[%dma_wait3A_185, %mul3A_2] : memref<8x16384xi32, #tpu.memory_space<hbm>> -> memref<1x512xi32, #tpu.memory_space<hbm>>
    %dma_wait3A_196 = tpu.memref_squeeze %dma_wait3A_195 : memref<1x512xi32, #tpu.memory_space<hbm>> -> memref<512xi32, #tpu.memory_space<hbm>>
    tpu.wait_dma2 semaphore(%arg10 : memref<!tpu.dma_semaphore, #tpu.memory_space<semaphore_mem>>) src(%dma_wait3A_196 : memref<512xi32, #tpu.memory_space<hbm>>) dst(%dma_wait3A_194 : memref<512xi32, #tpu.memory_space<vmem>>)
    %broadcast_in_dim3A = arith.constant 0 : i32
    %broadcast_in_dim3A_197 = vector.broadcast %broadcast_in_dim3A : i32 to vector<16xi32>
    %broadcast_in_dim3A_198 = arith.constant 1 : i32
    %broadcast_in_dim3A_199 = vector.broadcast %broadcast_in_dim3A_198 : i32 to vector<16xi32>
    %broadcast_in_dim3A_200 = arith.constant 2 : i32
    %broadcast_in_dim3A_201 = vector.broadcast %broadcast_in_dim3A_200 : i32 to vector<16xi32>
    %broadcast_in_dim3A_202 = arith.constant 3 : i32
    %broadcast_in_dim3A_203 = vector.broadcast %broadcast_in_dim3A_202 : i32 to vector<16xi32>
    %broadcast_in_dim3A_204 = arith.constant 4 : i32
    %broadcast_in_dim3A_205 = vector.broadcast %broadcast_in_dim3A_204 : i32 to vector<16xi32>
    %broadcast_in_dim3A_206 = arith.constant 5 : i32
    %broadcast_in_dim3A_207 = vector.broadcast %broadcast_in_dim3A_206 : i32 to vector<16xi32>
    %broadcast_in_dim3A_208 = arith.constant 6 : i32
    %broadcast_in_dim3A_209 = vector.broadcast %broadcast_in_dim3A_208 : i32 to vector<16xi32>
    %broadcast_in_dim3A_210 = arith.constant 7 : i32
    %broadcast_in_dim3A_211 = vector.broadcast %broadcast_in_dim3A_210 : i32 to vector<16xi32>
    %scan3A = arith.constant 0 : i32
    %scan3A_212 = arith.constant 32 : i32
    %scan3A_213 = arith.addi %scan3A, %scan3A_212 : i32
    %scan3A_214 = arith.constant 1 : i32
    scf.for %scan3A_488 = %scan3A to %scan3A_213 step %scan3A_214  : i32 {
      %mul3A_489 = arith.constant 16 : i32
      %mul3A_490 = arith.muli %scan3A_488, %mul3A_489 : i32
      %jit3A = arith.constant 128 : i32
      %div3A = arith.divsi %mul3A_490, %jit3A : i32
      %sign3A = arith.constant 0 : i32
      %sign3A_491 = arith.cmpi sgt, %mul3A_490, %sign3A : i32
      %sign3A_492 = arith.extui %sign3A_491 : i1 to i32
      %sign3A_493 = arith.constant 0 : i32
      %sign3A_494 = arith.cmpi slt, %mul3A_490, %sign3A_493 : i32
      %sign3A_495 = arith.extui %sign3A_494 : i1 to i32
      %sign3A_496 = arith.subi %sign3A_492, %sign3A_495 : i32
      %sign3A_497 = arith.constant 0 : i32
      %sign3A_498 = arith.cmpi sgt, %jit3A, %sign3A_497 : i32
      %sign3A_499 = arith.extui %sign3A_498 : i1 to i32
      %sign3A_500 = arith.constant 0 : i32
      %sign3A_501 = arith.cmpi slt, %jit3A, %sign3A_500 : i32
      %sign3A_502 = arith.extui %sign3A_501 : i1 to i32
      %sign3A_503 = arith.subi %sign3A_499, %sign3A_502 : i32
      %ne3A = arith.cmpi ne, %sign3A_496, %sign3A_503 : i32
      %rem3A = arith.remsi %mul3A_490, %jit3A : i32
      %ne3A_504 = arith.constant 0 : i32
      %ne3A_505 = arith.cmpi ne, %rem3A, %ne3A_504 : i32
      %and3A = arith.andi %ne3A, %ne3A_505 : i1
      %sub3A = arith.constant 1 : i32
      %sub3A_506 = arith.subi %div3A, %sub3A : i32
      %select_n3A = arith.select %and3A, %sub3A_506, %div3A : i32
      %jit3A_507 = arith.constant 128 : i32
      %eq3A = arith.constant 0 : i32
      %eq3A_508 = arith.cmpi eq, %jit3A_507, %eq3A : i32
      %jit3A_509 = arith.constant 1 : i32
      %select_n3A_510 = arith.select %eq3A_508, %jit3A_509, %jit3A_507 : i32
      %rem3A_511 = arith.remsi %mul3A_490, %select_n3A_510 : i32
      %ne3A_512 = arith.constant 0 : i32
      %ne3A_513 = arith.cmpi ne, %rem3A_511, %ne3A_512 : i32
      %lt3A = arith.constant 0 : i32
      %lt3A_514 = arith.cmpi slt, %rem3A_511, %lt3A : i32
      %lt3A_515 = arith.constant 0 : i32
      %lt3A_516 = arith.cmpi slt, %select_n3A_510, %lt3A_515 : i32
      %ne3A_517 = arith.xori %lt3A_514, %lt3A_516 : i1
      %and3A_518 = arith.andi %ne3A_517, %ne3A_513 : i1
      %add3A_519 = arith.addi %rem3A_511, %select_n3A_510 : i32
      %select_n3A_520 = arith.select %and3A_518, %add3A_519, %rem3A_511 : i32
      %get3A = arith.index_cast %mul3A_490 : i32 to index
      %get3A_521 = tpu.vector_load %arg7[%get3A] {strides = array<i32>} : memref<512xi32, #tpu.memory_space<vmem>>, vector<16xi32>,
      %convert_element_type3A = arith.sitofp %get3A_521 : vector<16xi32> to vector<16xf32>
      %div3A_522 = arith.constant 1.000000e+00 : f32
      %div3A_523 = vector.broadcast %div3A_522 : f32 to vector<16xf32>
      %div3A_524 = arith.divf %div3A_523, %convert_element_type3A : vector<16xf32>
      %broadcast_in_dim3A_525 = arith.constant 0.000000e+00 : f32
      %broadcast_in_dim3A_526 = vector.broadcast %broadcast_in_dim3A_525 : f32 to vector<16xf32>
      %broadcast_in_dim3A_527 = arith.constant 0.000000e+00 : f32
      %broadcast_in_dim3A_528 = vector.broadcast %broadcast_in_dim3A_527 : f32 to vector<16xf32>
      %broadcast_in_dim3A_529 = arith.constant 0.000000e+00 : f32
      %broadcast_in_dim3A_530 = vector.broadcast %broadcast_in_dim3A_529 : f32 to vector<16xf32>
      %broadcast_in_dim3A_531 = arith.constant 0.000000e+00 : f32
      %broadcast_in_dim3A_532 = vector.broadcast %broadcast_in_dim3A_531 : f32 to vector<16xf32>
      %broadcast_in_dim3A_533 = arith.constant 0.000000e+00 : f32
      %broadcast_in_dim3A_534 = vector.broadcast %broadcast_in_dim3A_533 : f32 to vector<16xf32>
      %broadcast_in_dim3A_535 = arith.constant 0.000000e+00 : f32
      %broadcast_in_dim3A_536 = vector.broadcast %broadcast_in_dim3A_535 : f32 to vector<16xf32>
      %broadcast_in_dim3A_537 = arith.constant 0.000000e+00 : f32
      %broadcast_in_dim3A_538 = vector.broadcast %broadcast_in_dim3A_537 : f32 to vector<16xf32>
      %broadcast_in_dim3A_539 = arith.constant 0.000000e+00 : f32
      %broadcast_in_dim3A_540 = vector.broadcast %broadcast_in_dim3A_539 : f32 to vector<16xf32>
      %get3A_541 = arith.constant 0 : i32
      %get3A_542 = arith.index_cast %get3A_541 : i32 to index
      %get3A_543 = arith.index_cast %mul3A_490 : i32 to index
      %get3A_544 = tpu.vector_load %arg6[%get3A_542, %get3A_543] {strides = array<i32>} : memref<8x512xi32, #tpu.memory_space<vmem>>, vector<16xi32>,
      %gather3A = tpu.vector_load_idx %arg8[%broadcast_in_dim3A_197, %get3A_544] : memref<9x323xf32, #tpu.memory_space<vmem>>[vector<16xi32>, vector<16xi32>], vector<16xf32>,
      %add3A_545 = arith.addf %broadcast_in_dim3A_526, %gather3A : vector<16xf32>
      %gather3A_546 = tpu.vector_load_idx %arg8[%broadcast_in_dim3A_199, %get3A_544] : memref<9x323xf32, #tpu.memory_space<vmem>>[vector<16xi32>, vector<16xi32>], vector<16xf32>,
      %add3A_547 = arith.addf %broadcast_in_dim3A_528, %gather3A_546 : vector<16xf32>
      %gather3A_548 = tpu.vector_load_idx %arg8[%broadcast_in_dim3A_201, %get3A_544] : memref<9x323xf32, #tpu.memory_space<vmem>>[vector<16xi32>, vector<16xi32>], vector<16xf32>,
      %add3A_549 = arith.addf %broadcast_in_dim3A_530, %gather3A_548 : vector<16xf32>
      %gather3A_550 = tpu.vector_load_idx %arg8[%broadcast_in_dim3A_203, %get3A_544] : memref<9x323xf32, #tpu.memory_space<vmem>>[vector<16xi32>, vector<16xi32>], vector<16xf32>,
      %add3A_551 = arith.addf %broadcast_in_dim3A_532, %gather3A_550 : vector<16xf32>
      %gather3A_552 = tpu.vector_load_idx %arg8[%broadcast_in_dim3A_205, %get3A_544] : memref<9x323xf32, #tpu.memory_space<vmem>>[vector<16xi32>, vector<16xi32>], vector<16xf32>,
      %add3A_553 = arith.addf %broadcast_in_dim3A_534, %gather3A_552 : vector<16xf32>
      %gather3A_554 = tpu.vector_load_idx %arg8[%broadcast_in_dim3A_207, %get3A_544] : memref<9x323xf32, #tpu.memory_space<vmem>>[vector<16xi32>, vector<16xi32>], vector<16xf32>,
      %add3A_555 = arith.addf %broadcast_in_dim3A_536, %gather3A_554 : vector<16xf32>
      %gather3A_556 = tpu.vector_load_idx %arg8[%broadcast_in_dim3A_209, %get3A_544] : memref<9x323xf32, #tpu.memory_space<vmem>>[vector<16xi32>, vector<16xi32>], vector<16xf32>,
      %add3A_557 = arith.addf %broadcast_in_dim3A_538, %gather3A_556 : vector<16xf32>
      %gather3A_558 = tpu.vector_load_idx %arg8[%broadcast_in_dim3A_211, %get3A_544] : memref<9x323xf32, #tpu.memory_space<vmem>>[vector<16xi32>, vector<16xi32>], vector<16xf32>,
      %add3A_559 = arith.addf %broadcast_in_dim3A_540, %gather3A_558 : vector<16xf32>
      %get3A_560 = arith.constant 1 : i32
      %get3A_561 = arith.index_cast %get3A_560 : i32 to index
      %get3A_562 = arith.index_cast %mul3A_490 : i32 to index
      %get3A_563 = tpu.vector_load %arg6[%get3A_561, %get3A_562] {strides = array<i32>} : memref<8x512xi32, #tpu.memory_space<vmem>>, vector<16xi32>,
      %gather3A_564 = tpu.vector_load_idx %arg8[%broadcast_in_dim3A_197, %get3A_563] : memref<9x323xf32, #tpu.memory_space<vmem>>[vector<16xi32>, vector<16xi32>], vector<16xf32>,
      %add3A_565 = arith.addf %add3A_545, %gather3A_564 : vector<16xf32>
      %gather3A_566 = tpu.vector_load_idx %arg8[%broadcast_in_dim3A_199, %get3A_563] : memref<9x323xf32, #tpu.memory_space<vmem>>[vector<16xi32>, vector<16xi32>], vector<16xf32>,
      %add3A_567 = arith.addf %add3A_547, %gather3A_566 : vector<16xf32>
      %gather3A_568 = tpu.vector_load_idx %arg8[%broadcast_in_dim3A_201, %get3A_563] : memref<9x323xf32, #tpu.memory_space<vmem>>[vector<16xi32>, vector<16xi32>], vector<16xf32>,
      %add3A_569 = arith.addf %add3A_549, %gather3A_568 : vector<16xf32>
      %gather3A_570 = tpu.vector_load_idx %arg8[%broadcast_in_dim3A_203, %get3A_563] : memref<9x323xf32, #tpu.memory_space<vmem>>[vector<16xi32>, vector<16xi32>], vector<16xf32>,
      %add3A_571 = arith.addf %add3A_551, %gather3A_570 : vector<16xf32>
      %gather3A_572 = tpu.vector_load_idx %arg8[%broadcast_in_dim3A_205, %get3A_563] : memref<9x323xf32, #tpu.memory_space<vmem>>[vector<16xi32>, vector<16xi32>], vector<16xf32>,
      %add3A_573 = arith.addf %add3A_553, %gather3A_572 : vector<16xf32>
      %gather3A_574 = tpu.vector_load_idx %arg8[%broadcast_in_dim3A_207, %get3A_563] : memref<9x323xf32, #tpu.memory_space<vmem>>[vector<16xi32>, vector<16xi32>], vector<16xf32>,
      %add3A_575 = arith.addf %add3A_555, %gather3A_574 : vector<16xf32>
      %gather3A_576 = tpu.vector_load_idx %arg8[%broadcast_in_dim3A_209, %get3A_563] : memref<9x323xf32, #tpu.memory_space<vmem>>[vector<16xi32>, vector<16xi32>], vector<16xf32>,
      %add3A_577 = arith.addf %add3A_557, %gather3A_576 : vector<16xf32>
      %gather3A_578 = tpu.vector_load_idx %arg8[%broadcast_in_dim3A_211, %get3A_563] : memref<9x323xf32, #tpu.memory_space<vmem>>[vector<16xi32>, vector<16xi32>], vector<16xf32>,
      %add3A_579 = arith.addf %add3A_559, %gather3A_578 : vector<16xf32>
      %get3A_580 = arith.constant 2 : i32
      %get3A_581 = arith.index_cast %get3A_580 : i32 to index
      %get3A_582 = arith.index_cast %mul3A_490 : i32 to index
      %get3A_583 = tpu.vector_load %arg6[%get3A_581, %get3A_582] {strides = array<i32>} : memref<8x512xi32, #tpu.memory_space<vmem>>, vector<16xi32>,
      %gather3A_584 = tpu.vector_load_idx %arg8[%broadcast_in_dim3A_197, %get3A_583] : memref<9x323xf32, #tpu.memory_space<vmem>>[vector<16xi32>, vector<16xi32>], vector<16xf32>,
      %add3A_585 = arith.addf %add3A_565, %gather3A_584 : vector<16xf32>
      %gather3A_586 = tpu.vector_load_idx %arg8[%broadcast_in_dim3A_199, %get3A_583] : memref<9x323xf32, #tpu.memory_space<vmem>>[vector<16xi32>, vector<16xi32>], vector<16xf32>,
      %add3A_587 = arith.addf %add3A_567, %gather3A_586 : vector<16xf32>
      %gather3A_588 = tpu.vector_load_idx %arg8[%broadcast_in_dim3A_201, %get3A_583] : memref<9x323xf32, #tpu.memory_space<vmem>>[vector<16xi32>, vector<16xi32>], vector<16xf32>,
      %add3A_589 = arith.addf %add3A_569, %gather3A_588 : vector<16xf32>
      %gather3A_590 = tpu.vector_load_idx %arg8[%broadcast_in_dim3A_203, %get3A_583] : memref<9x323xf32, #tpu.memory_space<vmem>>[vector<16xi32>, vector<16xi32>], vector<16xf32>,
      %add3A_591 = arith.addf %add3A_571, %gather3A_590 : vector<16xf32>
      %gather3A_592 = tpu.vector_load_idx %arg8[%broadcast_in_dim3A_205, %get3A_583] : memref<9x323xf32, #tpu.memory_space<vmem>>[vector<16xi32>, vector<16xi32>], vector<16xf32>,
      %add3A_593 = arith.addf %add3A_573, %gather3A_592 : vector<16xf32>
      %gather3A_594 = tpu.vector_load_idx %arg8[%broadcast_in_dim3A_207, %get3A_583] : memref<9x323xf32, #tpu.memory_space<vmem>>[vector<16xi32>, vector<16xi32>], vector<16xf32>,
      %add3A_595 = arith.addf %add3A_575, %gather3A_594 : vector<16xf32>
      %gather3A_596 = tpu.vector_load_idx %arg8[%broadcast_in_dim3A_209, %get3A_583] : memref<9x323xf32, #tpu.memory_space<vmem>>[vector<16xi32>, vector<16xi32>], vector<16xf32>,
      %add3A_597 = arith.addf %add3A_577, %gather3A_596 : vector<16xf32>
      %gather3A_598 = tpu.vector_load_idx %arg8[%broadcast_in_dim3A_211, %get3A_583] : memref<9x323xf32, #tpu.memory_space<vmem>>[vector<16xi32>, vector<16xi32>], vector<16xf32>,
      %add3A_599 = arith.addf %add3A_579, %gather3A_598 : vector<16xf32>
      %get3A_600 = arith.constant 3 : i32
      %get3A_601 = arith.index_cast %get3A_600 : i32 to index
      %get3A_602 = arith.index_cast %mul3A_490 : i32 to index
      %get3A_603 = tpu.vector_load %arg6[%get3A_601, %get3A_602] {strides = array<i32>} : memref<8x512xi32, #tpu.memory_space<vmem>>, vector<16xi32>,
      %gather3A_604 = tpu.vector_load_idx %arg8[%broadcast_in_dim3A_197, %get3A_603] : memref<9x323xf32, #tpu.memory_space<vmem>>[vector<16xi32>, vector<16xi32>], vector<16xf32>,
      %add3A_605 = arith.addf %add3A_585, %gather3A_604 : vector<16xf32>
      %gather3A_606 = tpu.vector_load_idx %arg8[%broadcast_in_dim3A_199, %get3A_603] : memref<9x323xf32, #tpu.memory_space<vmem>>[vector<16xi32>, vector<16xi32>], vector<16xf32>,
      %add3A_607 = arith.addf %add3A_587, %gather3A_606 : vector<16xf32>
      %gather3A_608 = tpu.vector_load_idx %arg8[%broadcast_in_dim3A_201, %get3A_603] : memref<9x323xf32, #tpu.memory_space<vmem>>[vector<16xi32>, vector<16xi32>], vector<16xf32>,
      %add3A_609 = arith.addf %add3A_589, %gather3A_608 : vector<16xf32>
      %gather3A_610 = tpu.vector_load_idx %arg8[%broadcast_in_dim3A_203, %get3A_603] : memref<9x323xf32, #tpu.memory_space<vmem>>[vector<16xi32>, vector<16xi32>], vector<16xf32>,
      %add3A_611 = arith.addf %add3A_591, %gather3A_610 : vector<16xf32>
      %gather3A_612 = tpu.vector_load_idx %arg8[%broadcast_in_dim3A_205, %get3A_603] : memref<9x323xf32, #tpu.memory_space<vmem>>[vector<16xi32>, vector<16xi32>], vector<16xf32>,
      %add3A_613 = arith.addf %add3A_593, %gather3A_612 : vector<16xf32>
      %gather3A_614 = tpu.vector_load_idx %arg8[%broadcast_in_dim3A_207, %get3A_603] : memref<9x323xf32, #tpu.memory_space<vmem>>[vector<16xi32>, vector<16xi32>], vector<16xf32>,
      %add3A_615 = arith.addf %add3A_595, %gather3A_614 : vector<16xf32>
      %gather3A_616 = tpu.vector_load_idx %arg8[%broadcast_in_dim3A_209, %get3A_603] : memref<9x323xf32, #tpu.memory_space<vmem>>[vector<16xi32>, vector<16xi32>], vector<16xf32>,
      %add3A_617 = arith.addf %add3A_597, %gather3A_616 : vector<16xf32>
      %gather3A_618 = tpu.vector_load_idx %arg8[%broadcast_in_dim3A_211, %get3A_603] : memref<9x323xf32, #tpu.memory_space<vmem>>[vector<16xi32>, vector<16xi32>], vector<16xf32>,
      %add3A_619 = arith.addf %add3A_599, %gather3A_618 : vector<16xf32>
      %get3A_620 = arith.constant 4 : i32
      %get3A_621 = arith.index_cast %get3A_620 : i32 to index
      %get3A_622 = arith.index_cast %mul3A_490 : i32 to index
      %get3A_623 = tpu.vector_load %arg6[%get3A_621, %get3A_622] {strides = array<i32>} : memref<8x512xi32, #tpu.memory_space<vmem>>, vector<16xi32>,
      %gather3A_624 = tpu.vector_load_idx %arg8[%broadcast_in_dim3A_197, %get3A_623] : memref<9x323xf32, #tpu.memory_space<vmem>>[vector<16xi32>, vector<16xi32>], vector<16xf32>,
      %add3A_625 = arith.addf %add3A_605, %gather3A_624 : vector<16xf32>
      %gather3A_626 = tpu.vector_load_idx %arg8[%broadcast_in_dim3A_199, %get3A_623] : memref<9x323xf32, #tpu.memory_space<vmem>>[vector<16xi32>, vector<16xi32>], vector<16xf32>,
      %add3A_627 = arith.addf %add3A_607, %gather3A_626 : vector<16xf32>
      %gather3A_628 = tpu.vector_load_idx %arg8[%broadcast_in_dim3A_201, %get3A_623] : memref<9x323xf32, #tpu.memory_space<vmem>>[vector<16xi32>, vector<16xi32>], vector<16xf32>,
      %add3A_629 = arith.addf %add3A_609, %gather3A_628 : vector<16xf32>
      %gather3A_630 = tpu.vector_load_idx %arg8[%broadcast_in_dim3A_203, %get3A_623] : memref<9x323xf32, #tpu.memory_space<vmem>>[vector<16xi32>, vector<16xi32>], vector<16xf32>,
      %add3A_631 = arith.addf %add3A_611, %gather3A_630 : vector<16xf32>
      %gather3A_632 = tpu.vector_load_idx %arg8[%broadcast_in_dim3A_205, %get3A_623] : memref<9x323xf32, #tpu.memory_space<vmem>>[vector<16xi32>, vector<16xi32>], vector<16xf32>,
      %add3A_633 = arith.addf %add3A_613, %gather3A_632 : vector<16xf32>
      %gather3A_634 = tpu.vector_load_idx %arg8[%broadcast_in_dim3A_207, %get3A_623] : memref<9x323xf32, #tpu.memory_space<vmem>>[vector<16xi32>, vector<16xi32>], vector<16xf32>,
      %add3A_635 = arith.addf %add3A_615, %gather3A_634 : vector<16xf32>
      %gather3A_636 = tpu.vector_load_idx %arg8[%broadcast_in_dim3A_209, %get3A_623] : memref<9x323xf32, #tpu.memory_space<vmem>>[vector<16xi32>, vector<16xi32>], vector<16xf32>,
      %add3A_637 = arith.addf %add3A_617, %gather3A_636 : vector<16xf32>
      %gather3A_638 = tpu.vector_load_idx %arg8[%broadcast_in_dim3A_211, %get3A_623] : memref<9x323xf32, #tpu.memory_space<vmem>>[vector<16xi32>, vector<16xi32>], vector<16xf32>,
      %add3A_639 = arith.addf %add3A_619, %gather3A_638 : vector<16xf32>
      %get3A_640 = arith.constant 5 : i32
      %get3A_641 = arith.index_cast %get3A_640 : i32 to index
      %get3A_642 = arith.index_cast %mul3A_490 : i32 to index
      %get3A_643 = tpu.vector_load %arg6[%get3A_641, %get3A_642] {strides = array<i32>} : memref<8x512xi32, #tpu.memory_space<vmem>>, vector<16xi32>,
      %gather3A_644 = tpu.vector_load_idx %arg8[%broadcast_in_dim3A_197, %get3A_643] : memref<9x323xf32, #tpu.memory_space<vmem>>[vector<16xi32>, vector<16xi32>], vector<16xf32>,
      %add3A_645 = arith.addf %add3A_625, %gather3A_644 : vector<16xf32>
      %gather3A_646 = tpu.vector_load_idx %arg8[%broadcast_in_dim3A_199, %get3A_643] : memref<9x323xf32, #tpu.memory_space<vmem>>[vector<16xi32>, vector<16xi32>], vector<16xf32>,
      %add3A_647 = arith.addf %add3A_627, %gather3A_646 : vector<16xf32>
      %gather3A_648 = tpu.vector_load_idx %arg8[%broadcast_in_dim3A_201, %get3A_643] : memref<9x323xf32, #tpu.memory_space<vmem>>[vector<16xi32>, vector<16xi32>], vector<16xf32>,
      %add3A_649 = arith.addf %add3A_629, %gather3A_648 : vector<16xf32>
      %gather3A_650 = tpu.vector_load_idx %arg8[%broadcast_in_dim3A_203, %get3A_643] : memref<9x323xf32, #tpu.memory_space<vmem>>[vector<16xi32>, vector<16xi32>], vector<16xf32>,
      %add3A_651 = arith.addf %add3A_631, %gather3A_650 : vector<16xf32>
      %gather3A_652 = tpu.vector_load_idx %arg8[%broadcast_in_dim3A_205, %get3A_643] : memref<9x323xf32, #tpu.memory_space<vmem>>[vector<16xi32>, vector<16xi32>], vector<16xf32>,
      %add3A_653 = arith.addf %add3A_633, %gather3A_652 : vector<16xf32>
      %gather3A_654 = tpu.vector_load_idx %arg8[%broadcast_in_dim3A_207, %get3A_643] : memref<9x323xf32, #tpu.memory_space<vmem>>[vector<16xi32>, vector<16xi32>], vector<16xf32>,
      %add3A_655 = arith.addf %add3A_635, %gather3A_654 : vector<16xf32>
      %gather3A_656 = tpu.vector_load_idx %arg8[%broadcast_in_dim3A_209, %get3A_643] : memref<9x323xf32, #tpu.memory_space<vmem>>[vector<16xi32>, vector<16xi32>], vector<16xf32>,
      %add3A_657 = arith.addf %add3A_637, %gather3A_656 : vector<16xf32>
      %gather3A_658 = tpu.vector_load_idx %arg8[%broadcast_in_dim3A_211, %get3A_643] : memref<9x323xf32, #tpu.memory_space<vmem>>[vector<16xi32>, vector<16xi32>], vector<16xf32>,
      %add3A_659 = arith.addf %add3A_639, %gather3A_658 : vector<16xf32>
      %get3A_660 = arith.constant 6 : i32
      %get3A_661 = arith.index_cast %get3A_660 : i32 to index
      %get3A_662 = arith.index_cast %mul3A_490 : i32 to index
      %get3A_663 = tpu.vector_load %arg6[%get3A_661, %get3A_662] {strides = array<i32>} : memref<8x512xi32, #tpu.memory_space<vmem>>, vector<16xi32>,
      %gather3A_664 = tpu.vector_load_idx %arg8[%broadcast_in_dim3A_197, %get3A_663] : memref<9x323xf32, #tpu.memory_space<vmem>>[vector<16xi32>, vector<16xi32>], vector<16xf32>,
      %add3A_665 = arith.addf %add3A_645, %gather3A_664 : vector<16xf32>
      %gather3A_666 = tpu.vector_load_idx %arg8[%broadcast_in_dim3A_199, %get3A_663] : memref<9x323xf32, #tpu.memory_space<vmem>>[vector<16xi32>, vector<16xi32>], vector<16xf32>,
      %add3A_667 = arith.addf %add3A_647, %gather3A_666 : vector<16xf32>
      %gather3A_668 = tpu.vector_load_idx %arg8[%broadcast_in_dim3A_201, %get3A_663] : memref<9x323xf32, #tpu.memory_space<vmem>>[vector<16xi32>, vector<16xi32>], vector<16xf32>,
      %add3A_669 = arith.addf %add3A_649, %gather3A_668 : vector<16xf32>
      %gather3A_670 = tpu.vector_load_idx %arg8[%broadcast_in_dim3A_203, %get3A_663] : memref<9x323xf32, #tpu.memory_space<vmem>>[vector<16xi32>, vector<16xi32>], vector<16xf32>,
      %add3A_671 = arith.addf %add3A_651, %gather3A_670 : vector<16xf32>
      %gather3A_672 = tpu.vector_load_idx %arg8[%broadcast_in_dim3A_205, %get3A_663] : memref<9x323xf32, #tpu.memory_space<vmem>>[vector<16xi32>, vector<16xi32>], vector<16xf32>,
      %add3A_673 = arith.addf %add3A_653, %gather3A_672 : vector<16xf32>
      %gather3A_674 = tpu.vector_load_idx %arg8[%broadcast_in_dim3A_207, %get3A_663] : memref<9x323xf32, #tpu.memory_space<vmem>>[vector<16xi32>, vector<16xi32>], vector<16xf32>,
      %add3A_675 = arith.addf %add3A_655, %gather3A_674 : vector<16xf32>
      %gather3A_676 = tpu.vector_load_idx %arg8[%broadcast_in_dim3A_209, %get3A_663] : memref<9x323xf32, #tpu.memory_space<vmem>>[vector<16xi32>, vector<16xi32>], vector<16xf32>,
      %add3A_677 = arith.addf %add3A_657, %gather3A_676 : vector<16xf32>
      %gather3A_678 = tpu.vector_load_idx %arg8[%broadcast_in_dim3A_211, %get3A_663] : memref<9x323xf32, #tpu.memory_space<vmem>>[vector<16xi32>, vector<16xi32>], vector<16xf32>,
      %add3A_679 = arith.addf %add3A_659, %gather3A_678 : vector<16xf32>
      %get3A_680 = arith.constant 7 : i32
      %get3A_681 = arith.index_cast %get3A_680 : i32 to index
      %get3A_682 = arith.index_cast %mul3A_490 : i32 to index
      %get3A_683 = tpu.vector_load %arg6[%get3A_681, %get3A_682] {strides = array<i32>} : memref<8x512xi32, #tpu.memory_space<vmem>>, vector<16xi32>,
      %gather3A_684 = tpu.vector_load_idx %arg8[%broadcast_in_dim3A_197, %get3A_683] : memref<9x323xf32, #tpu.memory_space<vmem>>[vector<16xi32>, vector<16xi32>], vector<16xf32>,
      %add3A_685 = arith.addf %add3A_665, %gather3A_684 : vector<16xf32>
      %gather3A_686 = tpu.vector_load_idx %arg8[%broadcast_in_dim3A_199, %get3A_683] : memref<9x323xf32, #tpu.memory_space<vmem>>[vector<16xi32>, vector<16xi32>], vector<16xf32>,
      %add3A_687 = arith.addf %add3A_667, %gather3A_686 : vector<16xf32>
      %gather3A_688 = tpu.vector_load_idx %arg8[%broadcast_in_dim3A_201, %get3A_683] : memref<9x323xf32, #tpu.memory_space<vmem>>[vector<16xi32>, vector<16xi32>], vector<16xf32>,
      %add3A_689 = arith.addf %add3A_669, %gather3A_688 : vector<16xf32>
      %gather3A_690 = tpu.vector_load_idx %arg8[%broadcast_in_dim3A_203, %get3A_683] : memref<9x323xf32, #tpu.memory_space<vmem>>[vector<16xi32>, vector<16xi32>], vector<16xf32>,
      %add3A_691 = arith.addf %add3A_671, %gather3A_690 : vector<16xf32>
      %gather3A_692 = tpu.vector_load_idx %arg8[%broadcast_in_dim3A_205, %get3A_683] : memref<9x323xf32, #tpu.memory_space<vmem>>[vector<16xi32>, vector<16xi32>], vector<16xf32>,
      %add3A_693 = arith.addf %add3A_673, %gather3A_692 : vector<16xf32>
      %gather3A_694 = tpu.vector_load_idx %arg8[%broadcast_in_dim3A_207, %get3A_683] : memref<9x323xf32, #tpu.memory_space<vmem>>[vector<16xi32>, vector<16xi32>], vector<16xf32>,
      %add3A_695 = arith.addf %add3A_675, %gather3A_694 : vector<16xf32>
      %gather3A_696 = tpu.vector_load_idx %arg8[%broadcast_in_dim3A_209, %get3A_683] : memref<9x323xf32, #tpu.memory_space<vmem>>[vector<16xi32>, vector<16xi32>], vector<16xf32>,
      %add3A_697 = arith.addf %add3A_677, %gather3A_696 : vector<16xf32>
      %gather3A_698 = tpu.vector_load_idx %arg8[%broadcast_in_dim3A_211, %get3A_683] : memref<9x323xf32, #tpu.memory_space<vmem>>[vector<16xi32>, vector<16xi32>], vector<16xf32>,
      %add3A_699 = arith.addf %add3A_679, %gather3A_698 : vector<16xf32>
      %mul3A_700 = arith.mulf %add3A_685, %div3A_524 : vector<16xf32>
      %swap3A = arith.constant 0 : i32
      %swap3A_701 = arith.index_cast %swap3A : i32 to index
      %swap3A_702 = arith.index_cast %select_n3A : i32 to index
      %swap3A_703 = arith.index_cast %select_n3A_520 : i32 to index
      %swap3A_704 = tpu.vector_load %arg9[%swap3A_701, %swap3A_702, %swap3A_703] {strides = array<i32>} : memref<8x4x128xf32, #tpu.memory_space<vmem>>, vector<16xf32>,
      tpu.vector_store %arg9[%swap3A_701, %swap3A_702, %swap3A_703], %mul3A_700 {strides = array<i32>} : memref<8x4x128xf32, #tpu.memory_space<vmem>>, vector<16xf32>,
      %mul3A_705 = arith.mulf %add3A_687, %div3A_524 : vector<16xf32>
      %swap3A_706 = arith.constant 1 : i32
      %swap3A_707 = arith.index_cast %swap3A_706 : i32 to index
      %swap3A_708 = arith.index_cast %select_n3A : i32 to index
      %swap3A_709 = arith.index_cast %select_n3A_520 : i32 to index
      %swap3A_710 = tpu.vector_load %arg9[%swap3A_707, %swap3A_708, %swap3A_709] {strides = array<i32>} : memref<8x4x128xf32, #tpu.memory_space<vmem>>, vector<16xf32>,
      tpu.vector_store %arg9[%swap3A_707, %swap3A_708, %swap3A_709], %mul3A_705 {strides = array<i32>} : memref<8x4x128xf32, #tpu.memory_space<vmem>>, vector<16xf32>,
      %mul3A_711 = arith.mulf %add3A_689, %div3A_524 : vector<16xf32>
      %swap3A_712 = arith.constant 2 : i32
      %swap3A_713 = arith.index_cast %swap3A_712 : i32 to index
      %swap3A_714 = arith.index_cast %select_n3A : i32 to index
      %swap3A_715 = arith.index_cast %select_n3A_520 : i32 to index
      %swap3A_716 = tpu.vector_load %arg9[%swap3A_713, %swap3A_714, %swap3A_715] {strides = array<i32>} : memref<8x4x128xf32, #tpu.memory_space<vmem>>, vector<16xf32>,
      tpu.vector_store %arg9[%swap3A_713, %swap3A_714, %swap3A_715], %mul3A_711 {strides = array<i32>} : memref<8x4x128xf32, #tpu.memory_space<vmem>>, vector<16xf32>,
      %mul3A_717 = arith.mulf %add3A_691, %div3A_524 : vector<16xf32>
      %swap3A_718 = arith.constant 3 : i32
      %swap3A_719 = arith.index_cast %swap3A_718 : i32 to index
      %swap3A_720 = arith.index_cast %select_n3A : i32 to index
      %swap3A_721 = arith.index_cast %select_n3A_520 : i32 to index
      %swap3A_722 = tpu.vector_load %arg9[%swap3A_719, %swap3A_720, %swap3A_721] {strides = array<i32>} : memref<8x4x128xf32, #tpu.memory_space<vmem>>, vector<16xf32>,
      tpu.vector_store %arg9[%swap3A_719, %swap3A_720, %swap3A_721], %mul3A_717 {strides = array<i32>} : memref<8x4x128xf32, #tpu.memory_space<vmem>>, vector<16xf32>,
      %mul3A_723 = arith.mulf %add3A_693, %div3A_524 : vector<16xf32>
      %swap3A_724 = arith.constant 4 : i32
      %swap3A_725 = arith.index_cast %swap3A_724 : i32 to index
      %swap3A_726 = arith.index_cast %select_n3A : i32 to index
      %swap3A_727 = arith.index_cast %select_n3A_520 : i32 to index
      %swap3A_728 = tpu.vector_load %arg9[%swap3A_725, %swap3A_726, %swap3A_727] {strides = array<i32>} : memref<8x4x128xf32, #tpu.memory_space<vmem>>, vector<16xf32>,
      tpu.vector_store %arg9[%swap3A_725, %swap3A_726, %swap3A_727], %mul3A_723 {strides = array<i32>} : memref<8x4x128xf32, #tpu.memory_space<vmem>>, vector<16xf32>,
      %mul3A_729 = arith.mulf %add3A_695, %div3A_524 : vector<16xf32>
      %swap3A_730 = arith.constant 5 : i32
      %swap3A_731 = arith.index_cast %swap3A_730 : i32 to index
      %swap3A_732 = arith.index_cast %select_n3A : i32 to index
      %swap3A_733 = arith.index_cast %select_n3A_520 : i32 to index
      %swap3A_734 = tpu.vector_load %arg9[%swap3A_731, %swap3A_732, %swap3A_733] {strides = array<i32>} : memref<8x4x128xf32, #tpu.memory_space<vmem>>, vector<16xf32>,
      tpu.vector_store %arg9[%swap3A_731, %swap3A_732, %swap3A_733], %mul3A_729 {strides = array<i32>} : memref<8x4x128xf32, #tpu.memory_space<vmem>>, vector<16xf32>,
      %mul3A_735 = arith.mulf %add3A_697, %div3A_524 : vector<16xf32>
      %swap3A_736 = arith.constant 6 : i32
      %swap3A_737 = arith.index_cast %swap3A_736 : i32 to index
      %swap3A_738 = arith.index_cast %select_n3A : i32 to index
      %swap3A_739 = arith.index_cast %select_n3A_520 : i32 to index
      %swap3A_740 = tpu.vector_load %arg9[%swap3A_737, %swap3A_738, %swap3A_739] {strides = array<i32>} : memref<8x4x128xf32, #tpu.memory_space<vmem>>, vector<16xf32>,
      tpu.vector_store %arg9[%swap3A_737, %swap3A_738, %swap3A_739], %mul3A_735 {strides = array<i32>} : memref<8x4x128xf32, #tpu.memory_space<vmem>>, vector<16xf32>,
      %mul3A_741 = arith.mulf %add3A_699, %div3A_524 : vector<16xf32>
      %swap3A_742 = arith.constant 7 : i32
      %swap3A_743 = arith.index_cast %swap3A_742 : i32 to index
      %swap3A_744 = arith.index_cast %select_n3A : i32 to index
      %swap3A_745 = arith.index_cast %select_n3A_520 : i32 to index
      %swap3A_746 = tpu.vector_load %arg9[%swap3A_743, %swap3A_744, %swap3A_745] {strides = array<i32>} : memref<8x4x128xf32, #tpu.memory_space<vmem>>, vector<16xf32>,
      tpu.vector_store %arg9[%swap3A_743, %swap3A_744, %swap3A_745], %mul3A_741 {strides = array<i32>} : memref<8x4x128xf32, #tpu.memory_space<vmem>>, vector<16xf32>,
    }
    %scan3A_215 = arith.constant 32 : i32
    %mul3A_216 = arith.constant 4 : i32
    %mul3A_217 = arith.muli %add3A, %mul3A_216 : i32
    %dma_start3A_218 = arith.constant 0 : i32
    %dma_start3A_219 = arith.constant 0 : i32
    %dma_start3A_220 = arith.constant 0 : i32
    %dma_start3A_221 = arith.constant 0 : i32
    %dma_start3A_222 = tpu.memref_slice %arg9[%dma_start3A_218, %dma_start3A_220, %dma_start3A_221] : memref<8x4x128xf32, #tpu.memory_space<vmem>> -> memref<1x4x128xf32, #tpu.memory_space<vmem>>
    %dma_start3A_223 = tpu.memref_squeeze %dma_start3A_222 : memref<1x4x128xf32, #tpu.memory_space<vmem>> -> memref<4x128xf32, #tpu.memory_space<vmem>>
    %dma_start3A_224 = arith.constant 0 : i32
    %dma_start3A_225 = tpu.memref_slice %arg5[%dma_start3A_219, %mul3A_217, %dma_start3A_224] : memref<8x128x128xf32, #tpu.memory_space<hbm>> -> memref<1x4x128xf32, #tpu.memory_space<hbm>>
    %dma_start3A_226 = tpu.memref_squeeze %dma_start3A_225 : memref<1x4x128xf32, #tpu.memory_space<hbm>> -> memref<4x128xf32, #tpu.memory_space<hbm>>
    %dma_start3A_227 = arith.constant 0 : i32
    %dma_start3A_228 = tpu.memref_slice %arg5[%dma_start3A_219, %mul3A_217, %dma_start3A_227] : memref<8x128x128xf32, #tpu.memory_space<hbm>> -> memref<1x4x128xf32, #tpu.memory_space<hbm>>
    %dma_start3A_229 = tpu.memref_squeeze %dma_start3A_228 : memref<1x4x128xf32, #tpu.memory_space<hbm>> -> memref<4x128xf32, #tpu.memory_space<hbm>>
    %dma_start3A_230 = arith.constant 0 : i32
    %dma_start3A_231 = arith.constant 0 : i32
    %dma_start3A_232 = tpu.memref_slice %arg9[%dma_start3A_218, %dma_start3A_230, %dma_start3A_231] : memref<8x4x128xf32, #tpu.memory_space<vmem>> -> memref<1x4x128xf32, #tpu.memory_space<vmem>>
    %dma_start3A_233 = tpu.memref_squeeze %dma_start3A_232 : memref<1x4x128xf32, #tpu.memory_space<vmem>> -> memref<4x128xf32, #tpu.memory_space<vmem>>
    tpu.enqueue_dma source(%dma_start3A_233 : memref<4x128xf32, #tpu.memory_space<vmem>>) target(%dma_start3A_229 : memref<4x128xf32, #tpu.memory_space<hbm>>) target_semaphore(%arg11 : memref<!tpu.dma_semaphore, #tpu.memory_space<semaphore_mem>>)
    %mul3A_234 = arith.constant 4 : i32
    %mul3A_235 = arith.muli %add3A, %mul3A_234 : i32
    %dma_start3A_236 = arith.constant 1 : i32
    %dma_start3A_237 = arith.constant 1 : i32
    %dma_start3A_238 = arith.constant 0 : i32
    %dma_start3A_239 = arith.constant 0 : i32
    %dma_start3A_240 = tpu.memref_slice %arg9[%dma_start3A_236, %dma_start3A_238, %dma_start3A_239] : memref<8x4x128xf32, #tpu.memory_space<vmem>> -> memref<1x4x128xf32, #tpu.memory_space<vmem>>
    %dma_start3A_241 = tpu.memref_squeeze %dma_start3A_240 : memref<1x4x128xf32, #tpu.memory_space<vmem>> -> memref<4x128xf32, #tpu.memory_space<vmem>>
    %dma_start3A_242 = arith.constant 0 : i32
    %dma_start3A_243 = tpu.memref_slice %arg5[%dma_start3A_237, %mul3A_235, %dma_start3A_242] : memref<8x128x128xf32, #tpu.memory_space<hbm>> -> memref<1x4x128xf32, #tpu.memory_space<hbm>>
    %dma_start3A_244 = tpu.memref_squeeze %dma_start3A_243 : memref<1x4x128xf32, #tpu.memory_space<hbm>> -> memref<4x128xf32, #tpu.memory_space<hbm>>
    %dma_start3A_245 = arith.constant 0 : i32
    %dma_start3A_246 = tpu.memref_slice %arg5[%dma_start3A_237, %mul3A_235, %dma_start3A_245] : memref<8x128x128xf32, #tpu.memory_space<hbm>> -> memref<1x4x128xf32, #tpu.memory_space<hbm>>
    %dma_start3A_247 = tpu.memref_squeeze %dma_start3A_246 : memref<1x4x128xf32, #tpu.memory_space<hbm>> -> memref<4x128xf32, #tpu.memory_space<hbm>>
    %dma_start3A_248 = arith.constant 0 : i32
    %dma_start3A_249 = arith.constant 0 : i32
    %dma_start3A_250 = tpu.memref_slice %arg9[%dma_start3A_236, %dma_start3A_248, %dma_start3A_249] : memref<8x4x128xf32, #tpu.memory_space<vmem>> -> memref<1x4x128xf32, #tpu.memory_space<vmem>>
    %dma_start3A_251 = tpu.memref_squeeze %dma_start3A_250 : memref<1x4x128xf32, #tpu.memory_space<vmem>> -> memref<4x128xf32, #tpu.memory_space<vmem>>
    tpu.enqueue_dma source(%dma_start3A_251 : memref<4x128xf32, #tpu.memory_space<vmem>>) target(%dma_start3A_247 : memref<4x128xf32, #tpu.memory_space<hbm>>) target_semaphore(%arg11 : memref<!tpu.dma_semaphore, #tpu.memory_space<semaphore_mem>>)
    %mul3A_252 = arith.constant 4 : i32
    %mul3A_253 = arith.muli %add3A, %mul3A_252 : i32
    %dma_start3A_254 = arith.constant 2 : i32
    %dma_start3A_255 = arith.constant 2 : i32
    %dma_start3A_256 = arith.constant 0 : i32
    %dma_start3A_257 = arith.constant 0 : i32
    %dma_start3A_258 = tpu.memref_slice %arg9[%dma_start3A_254, %dma_start3A_256, %dma_start3A_257] : memref<8x4x128xf32, #tpu.memory_space<vmem>> -> memref<1x4x128xf32, #tpu.memory_space<vmem>>
    %dma_start3A_259 = tpu.memref_squeeze %dma_start3A_258 : memref<1x4x128xf32, #tpu.memory_space<vmem>> -> memref<4x128xf32, #tpu.memory_space<vmem>>
    %dma_start3A_260 = arith.constant 0 : i32
    %dma_start3A_261 = tpu.memref_slice %arg5[%dma_start3A_255, %mul3A_253, %dma_start3A_260] : memref<8x128x128xf32, #tpu.memory_space<hbm>> -> memref<1x4x128xf32, #tpu.memory_space<hbm>>
    %dma_start3A_262 = tpu.memref_squeeze %dma_start3A_261 : memref<1x4x128xf32, #tpu.memory_space<hbm>> -> memref<4x128xf32, #tpu.memory_space<hbm>>
    %dma_start3A_263 = arith.constant 0 : i32
    %dma_start3A_264 = tpu.memref_slice %arg5[%dma_start3A_255, %mul3A_253, %dma_start3A_263] : memref<8x128x128xf32, #tpu.memory_space<hbm>> -> memref<1x4x128xf32, #tpu.memory_space<hbm>>
    %dma_start3A_265 = tpu.memref_squeeze %dma_start3A_264 : memref<1x4x128xf32, #tpu.memory_space<hbm>> -> memref<4x128xf32, #tpu.memory_space<hbm>>
    %dma_start3A_266 = arith.constant 0 : i32
    %dma_start3A_267 = arith.constant 0 : i32
    %dma_start3A_268 = tpu.memref_slice %arg9[%dma_start3A_254, %dma_start3A_266, %dma_start3A_267] : memref<8x4x128xf32, #tpu.memory_space<vmem>> -> memref<1x4x128xf32, #tpu.memory_space<vmem>>
    %dma_start3A_269 = tpu.memref_squeeze %dma_start3A_268 : memref<1x4x128xf32, #tpu.memory_space<vmem>> -> memref<4x128xf32, #tpu.memory_space<vmem>>
    tpu.enqueue_dma source(%dma_start3A_269 : memref<4x128xf32, #tpu.memory_space<vmem>>) target(%dma_start3A_265 : memref<4x128xf32, #tpu.memory_space<hbm>>) target_semaphore(%arg11 : memref<!tpu.dma_semaphore, #tpu.memory_space<semaphore_mem>>)
    %mul3A_270 = arith.constant 4 : i32
    %mul3A_271 = arith.muli %add3A, %mul3A_270 : i32
    %dma_start3A_272 = arith.constant 3 : i32
    %dma_start3A_273 = arith.constant 3 : i32
    %dma_start3A_274 = arith.constant 0 : i32
    %dma_start3A_275 = arith.constant 0 : i32
    %dma_start3A_276 = tpu.memref_slice %arg9[%dma_start3A_272, %dma_start3A_274, %dma_start3A_275] : memref<8x4x128xf32, #tpu.memory_space<vmem>> -> memref<1x4x128xf32, #tpu.memory_space<vmem>>
    %dma_start3A_277 = tpu.memref_squeeze %dma_start3A_276 : memref<1x4x128xf32, #tpu.memory_space<vmem>> -> memref<4x128xf32, #tpu.memory_space<vmem>>
    %dma_start3A_278 = arith.constant 0 : i32
    %dma_start3A_279 = tpu.memref_slice %arg5[%dma_start3A_273, %mul3A_271, %dma_start3A_278] : memref<8x128x128xf32, #tpu.memory_space<hbm>> -> memref<1x4x128xf32, #tpu.memory_space<hbm>>
    %dma_start3A_280 = tpu.memref_squeeze %dma_start3A_279 : memref<1x4x128xf32, #tpu.memory_space<hbm>> -> memref<4x128xf32, #tpu.memory_space<hbm>>
    %dma_start3A_281 = arith.constant 0 : i32
    %dma_start3A_282 = tpu.memref_slice %arg5[%dma_start3A_273, %mul3A_271, %dma_start3A_281] : memref<8x128x128xf32, #tpu.memory_space<hbm>> -> memref<1x4x128xf32, #tpu.memory_space<hbm>>
    %dma_start3A_283 = tpu.memref_squeeze %dma_start3A_282 : memref<1x4x128xf32, #tpu.memory_space<hbm>> -> memref<4x128xf32, #tpu.memory_space<hbm>>
    %dma_start3A_284 = arith.constant 0 : i32
    %dma_start3A_285 = arith.constant 0 : i32
    %dma_start3A_286 = tpu.memref_slice %arg9[%dma_start3A_272, %dma_start3A_284, %dma_start3A_285] : memref<8x4x128xf32, #tpu.memory_space<vmem>> -> memref<1x4x128xf32, #tpu.memory_space<vmem>>
    %dma_start3A_287 = tpu.memref_squeeze %dma_start3A_286 : memref<1x4x128xf32, #tpu.memory_space<vmem>> -> memref<4x128xf32, #tpu.memory_space<vmem>>
    tpu.enqueue_dma source(%dma_start3A_287 : memref<4x128xf32, #tpu.memory_space<vmem>>) target(%dma_start3A_283 : memref<4x128xf32, #tpu.memory_space<hbm>>) target_semaphore(%arg11 : memref<!tpu.dma_semaphore, #tpu.memory_space<semaphore_mem>>)
    %mul3A_288 = arith.constant 4 : i32
    %mul3A_289 = arith.muli %add3A, %mul3A_288 : i32
    %dma_start3A_290 = arith.constant 4 : i32
    %dma_start3A_291 = arith.constant 4 : i32
    %dma_start3A_292 = arith.constant 0 : i32
    %dma_start3A_293 = arith.constant 0 : i32
    %dma_start3A_294 = tpu.memref_slice %arg9[%dma_start3A_290, %dma_start3A_292, %dma_start3A_293] : memref<8x4x128xf32, #tpu.memory_space<vmem>> -> memref<1x4x128xf32, #tpu.memory_space<vmem>>
    %dma_start3A_295 = tpu.memref_squeeze %dma_start3A_294 : memref<1x4x128xf32, #tpu.memory_space<vmem>> -> memref<4x128xf32, #tpu.memory_space<vmem>>
    %dma_start3A_296 = arith.constant 0 : i32
    %dma_start3A_297 = tpu.memref_slice %arg5[%dma_start3A_291, %mul3A_289, %dma_start3A_296] : memref<8x128x128xf32, #tpu.memory_space<hbm>> -> memref<1x4x128xf32, #tpu.memory_space<hbm>>
    %dma_start3A_298 = tpu.memref_squeeze %dma_start3A_297 : memref<1x4x128xf32, #tpu.memory_space<hbm>> -> memref<4x128xf32, #tpu.memory_space<hbm>>
    %dma_start3A_299 = arith.constant 0 : i32
    %dma_start3A_300 = tpu.memref_slice %arg5[%dma_start3A_291, %mul3A_289, %dma_start3A_299] : memref<8x128x128xf32, #tpu.memory_space<hbm>> -> memref<1x4x128xf32, #tpu.memory_space<hbm>>
    %dma_start3A_301 = tpu.memref_squeeze %dma_start3A_300 : memref<1x4x128xf32, #tpu.memory_space<hbm>> -> memref<4x128xf32, #tpu.memory_space<hbm>>
    %dma_start3A_302 = arith.constant 0 : i32
    %dma_start3A_303 = arith.constant 0 : i32
    %dma_start3A_304 = tpu.memref_slice %arg9[%dma_start3A_290, %dma_start3A_302, %dma_start3A_303] : memref<8x4x128xf32, #tpu.memory_space<vmem>> -> memref<1x4x128xf32, #tpu.memory_space<vmem>>
    %dma_start3A_305 = tpu.memref_squeeze %dma_start3A_304 : memref<1x4x128xf32, #tpu.memory_space<vmem>> -> memref<4x128xf32, #tpu.memory_space<vmem>>
    tpu.enqueue_dma source(%dma_start3A_305 : memref<4x128xf32, #tpu.memory_space<vmem>>) target(%dma_start3A_301 : memref<4x128xf32, #tpu.memory_space<hbm>>) target_semaphore(%arg11 : memref<!tpu.dma_semaphore, #tpu.memory_space<semaphore_mem>>)
    %mul3A_306 = arith.constant 4 : i32
    %mul3A_307 = arith.muli %add3A, %mul3A_306 : i32
    %dma_start3A_308 = arith.constant 5 : i32
    %dma_start3A_309 = arith.constant 5 : i32
    %dma_start3A_310 = arith.constant 0 : i32
    %dma_start3A_311 = arith.constant 0 : i32
    %dma_start3A_312 = tpu.memref_slice %arg9[%dma_start3A_308, %dma_start3A_310, %dma_start3A_311] : memref<8x4x128xf32, #tpu.memory_space<vmem>> -> memref<1x4x128xf32, #tpu.memory_space<vmem>>
    %dma_start3A_313 = tpu.memref_squeeze %dma_start3A_312 : memref<1x4x128xf32, #tpu.memory_space<vmem>> -> memref<4x128xf32, #tpu.memory_space<vmem>>
    %dma_start3A_314 = arith.constant 0 : i32
    %dma_start3A_315 = tpu.memref_slice %arg5[%dma_start3A_309, %mul3A_307, %dma_start3A_314] : memref<8x128x128xf32, #tpu.memory_space<hbm>> -> memref<1x4x128xf32, #tpu.memory_space<hbm>>
    %dma_start3A_316 = tpu.memref_squeeze %dma_start3A_315 : memref<1x4x128xf32, #tpu.memory_space<hbm>> -> memref<4x128xf32, #tpu.memory_space<hbm>>
    %dma_start3A_317 = arith.constant 0 : i32
    %dma_start3A_318 = tpu.memref_slice %arg5[%dma_start3A_309, %mul3A_307, %dma_start3A_317] : memref<8x128x128xf32, #tpu.memory_space<hbm>> -> memref<1x4x128xf32, #tpu.memory_space<hbm>>
    %dma_start3A_319 = tpu.memref_squeeze %dma_start3A_318 : memref<1x4x128xf32, #tpu.memory_space<hbm>> -> memref<4x128xf32, #tpu.memory_space<hbm>>
    %dma_start3A_320 = arith.constant 0 : i32
    %dma_start3A_321 = arith.constant 0 : i32
    %dma_start3A_322 = tpu.memref_slice %arg9[%dma_start3A_308, %dma_start3A_320, %dma_start3A_321] : memref<8x4x128xf32, #tpu.memory_space<vmem>> -> memref<1x4x128xf32, #tpu.memory_space<vmem>>
    %dma_start3A_323 = tpu.memref_squeeze %dma_start3A_322 : memref<1x4x128xf32, #tpu.memory_space<vmem>> -> memref<4x128xf32, #tpu.memory_space<vmem>>
    tpu.enqueue_dma source(%dma_start3A_323 : memref<4x128xf32, #tpu.memory_space<vmem>>) target(%dma_start3A_319 : memref<4x128xf32, #tpu.memory_space<hbm>>) target_semaphore(%arg11 : memref<!tpu.dma_semaphore, #tpu.memory_space<semaphore_mem>>)
    %mul3A_324 = arith.constant 4 : i32
    %mul3A_325 = arith.muli %add3A, %mul3A_324 : i32
    %dma_start3A_326 = arith.constant 6 : i32
    %dma_start3A_327 = arith.constant 6 : i32
    %dma_start3A_328 = arith.constant 0 : i32
    %dma_start3A_329 = arith.constant 0 : i32
    %dma_start3A_330 = tpu.memref_slice %arg9[%dma_start3A_326, %dma_start3A_328, %dma_start3A_329] : memref<8x4x128xf32, #tpu.memory_space<vmem>> -> memref<1x4x128xf32, #tpu.memory_space<vmem>>
    %dma_start3A_331 = tpu.memref_squeeze %dma_start3A_330 : memref<1x4x128xf32, #tpu.memory_space<vmem>> -> memref<4x128xf32, #tpu.memory_space<vmem>>
    %dma_start3A_332 = arith.constant 0 : i32
    %dma_start3A_333 = tpu.memref_slice %arg5[%dma_start3A_327, %mul3A_325, %dma_start3A_332] : memref<8x128x128xf32, #tpu.memory_space<hbm>> -> memref<1x4x128xf32, #tpu.memory_space<hbm>>
    %dma_start3A_334 = tpu.memref_squeeze %dma_start3A_333 : memref<1x4x128xf32, #tpu.memory_space<hbm>> -> memref<4x128xf32, #tpu.memory_space<hbm>>
    %dma_start3A_335 = arith.constant 0 : i32
    %dma_start3A_336 = tpu.memref_slice %arg5[%dma_start3A_327, %mul3A_325, %dma_start3A_335] : memref<8x128x128xf32, #tpu.memory_space<hbm>> -> memref<1x4x128xf32, #tpu.memory_space<hbm>>
    %dma_start3A_337 = tpu.memref_squeeze %dma_start3A_336 : memref<1x4x128xf32, #tpu.memory_space<hbm>> -> memref<4x128xf32, #tpu.memory_space<hbm>>
    %dma_start3A_338 = arith.constant 0 : i32
    %dma_start3A_339 = arith.constant 0 : i32
    %dma_start3A_340 = tpu.memref_slice %arg9[%dma_start3A_326, %dma_start3A_338, %dma_start3A_339] : memref<8x4x128xf32, #tpu.memory_space<vmem>> -> memref<1x4x128xf32, #tpu.memory_space<vmem>>
    %dma_start3A_341 = tpu.memref_squeeze %dma_start3A_340 : memref<1x4x128xf32, #tpu.memory_space<vmem>> -> memref<4x128xf32, #tpu.memory_space<vmem>>
    tpu.enqueue_dma source(%dma_start3A_341 : memref<4x128xf32, #tpu.memory_space<vmem>>) target(%dma_start3A_337 : memref<4x128xf32, #tpu.memory_space<hbm>>) target_semaphore(%arg11 : memref<!tpu.dma_semaphore, #tpu.memory_space<semaphore_mem>>)
    %mul3A_342 = arith.constant 4 : i32
    %mul3A_343 = arith.muli %add3A, %mul3A_342 : i32
    %dma_start3A_344 = arith.constant 7 : i32
    %dma_start3A_345 = arith.constant 7 : i32
    %dma_start3A_346 = arith.constant 0 : i32
    %dma_start3A_347 = arith.constant 0 : i32
    %dma_start3A_348 = tpu.memref_slice %arg9[%dma_start3A_344, %dma_start3A_346, %dma_start3A_347] : memref<8x4x128xf32, #tpu.memory_space<vmem>> -> memref<1x4x128xf32, #tpu.memory_space<vmem>>
    %dma_start3A_349 = tpu.memref_squeeze %dma_start3A_348 : memref<1x4x128xf32, #tpu.memory_space<vmem>> -> memref<4x128xf32, #tpu.memory_space<vmem>>
    %dma_start3A_350 = arith.constant 0 : i32
    %dma_start3A_351 = tpu.memref_slice %arg5[%dma_start3A_345, %mul3A_343, %dma_start3A_350] : memref<8x128x128xf32, #tpu.memory_space<hbm>> -> memref<1x4x128xf32, #tpu.memory_space<hbm>>
    %dma_start3A_352 = tpu.memref_squeeze %dma_start3A_351 : memref<1x4x128xf32, #tpu.memory_space<hbm>> -> memref<4x128xf32, #tpu.memory_space<hbm>>
    %dma_start3A_353 = arith.constant 0 : i32
    %dma_start3A_354 = tpu.memref_slice %arg5[%dma_start3A_345, %mul3A_343, %dma_start3A_353] : memref<8x128x128xf32, #tpu.memory_space<hbm>> -> memref<1x4x128xf32, #tpu.memory_space<hbm>>
    %dma_start3A_355 = tpu.memref_squeeze %dma_start3A_354 : memref<1x4x128xf32, #tpu.memory_space<hbm>> -> memref<4x128xf32, #tpu.memory_space<hbm>>
    %dma_start3A_356 = arith.constant 0 : i32
    %dma_start3A_357 = arith.constant 0 : i32
    %dma_start3A_358 = tpu.memref_slice %arg9[%dma_start3A_344, %dma_start3A_356, %dma_start3A_357] : memref<8x4x128xf32, #tpu.memory_space<vmem>> -> memref<1x4x128xf32, #tpu.memory_space<vmem>>
    %dma_start3A_359 = tpu.memref_squeeze %dma_start3A_358 : memref<1x4x128xf32, #tpu.memory_space<vmem>> -> memref<4x128xf32, #tpu.memory_space<vmem>>
    tpu.enqueue_dma source(%dma_start3A_359 : memref<4x128xf32, #tpu.memory_space<vmem>>) target(%dma_start3A_355 : memref<4x128xf32, #tpu.memory_space<hbm>>) target_semaphore(%arg11 : memref<!tpu.dma_semaphore, #tpu.memory_space<semaphore_mem>>)
    %dma_wait3A_360 = arith.constant 0 : i32
    %dma_wait3A_361 = arith.constant 0 : i32
    %dma_wait3A_362 = arith.constant 0 : i32
    %dma_wait3A_363 = arith.constant 0 : i32
    %dma_wait3A_364 = tpu.memref_slice %arg9[%dma_wait3A_360, %dma_wait3A_362, %dma_wait3A_363] : memref<8x4x128xf32, #tpu.memory_space<vmem>> -> memref<1x4x128xf32, #tpu.memory_space<vmem>>
    %dma_wait3A_365 = tpu.memref_squeeze %dma_wait3A_364 : memref<1x4x128xf32, #tpu.memory_space<vmem>> -> memref<4x128xf32, #tpu.memory_space<vmem>>
    %dma_wait3A_366 = arith.constant 0 : i32
    %dma_wait3A_367 = tpu.memref_slice %arg5[%dma_wait3A_361, %mul3A_217, %dma_wait3A_366] : memref<8x128x128xf32, #tpu.memory_space<hbm>> -> memref<1x4x128xf32, #tpu.memory_space<hbm>>
    %dma_wait3A_368 = tpu.memref_squeeze %dma_wait3A_367 : memref<1x4x128xf32, #tpu.memory_space<hbm>> -> memref<4x128xf32, #tpu.memory_space<hbm>>
    %dma_wait3A_369 = arith.constant 0 : i32
    %dma_wait3A_370 = tpu.memref_slice %arg5[%dma_wait3A_361, %mul3A_217, %dma_wait3A_369] : memref<8x128x128xf32, #tpu.memory_space<hbm>> -> memref<1x4x128xf32, #tpu.memory_space<hbm>>
    %dma_wait3A_371 = tpu.memref_squeeze %dma_wait3A_370 : memref<1x4x128xf32, #tpu.memory_space<hbm>> -> memref<4x128xf32, #tpu.memory_space<hbm>>
    %dma_wait3A_372 = arith.constant 0 : i32
    %dma_wait3A_373 = arith.constant 0 : i32
    %dma_wait3A_374 = tpu.memref_slice %arg9[%dma_wait3A_360, %dma_wait3A_372, %dma_wait3A_373] : memref<8x4x128xf32, #tpu.memory_space<vmem>> -> memref<1x4x128xf32, #tpu.memory_space<vmem>>
    %dma_wait3A_375 = tpu.memref_squeeze %dma_wait3A_374 : memref<1x4x128xf32, #tpu.memory_space<vmem>> -> memref<4x128xf32, #tpu.memory_space<vmem>>
    tpu.wait_dma2 semaphore(%arg11 : memref<!tpu.dma_semaphore, #tpu.memory_space<semaphore_mem>>) src(%dma_wait3A_375 : memref<4x128xf32, #tpu.memory_space<vmem>>) dst(%dma_wait3A_371 : memref<4x128xf32, #tpu.memory_space<hbm>>)
    %dma_wait3A_376 = arith.constant 1 : i32
    %dma_wait3A_377 = arith.constant 1 : i32
    %dma_wait3A_378 = arith.constant 0 : i32
    %dma_wait3A_379 = arith.constant 0 : i32
    %dma_wait3A_380 = tpu.memref_slice %arg9[%dma_wait3A_376, %dma_wait3A_378, %dma_wait3A_379] : memref<8x4x128xf32, #tpu.memory_space<vmem>> -> memref<1x4x128xf32, #tpu.memory_space<vmem>>
    %dma_wait3A_381 = tpu.memref_squeeze %dma_wait3A_380 : memref<1x4x128xf32, #tpu.memory_space<vmem>> -> memref<4x128xf32, #tpu.memory_space<vmem>>
    %dma_wait3A_382 = arith.constant 0 : i32
    %dma_wait3A_383 = tpu.memref_slice %arg5[%dma_wait3A_377, %mul3A_235, %dma_wait3A_382] : memref<8x128x128xf32, #tpu.memory_space<hbm>> -> memref<1x4x128xf32, #tpu.memory_space<hbm>>
    %dma_wait3A_384 = tpu.memref_squeeze %dma_wait3A_383 : memref<1x4x128xf32, #tpu.memory_space<hbm>> -> memref<4x128xf32, #tpu.memory_space<hbm>>
    %dma_wait3A_385 = arith.constant 0 : i32
    %dma_wait3A_386 = tpu.memref_slice %arg5[%dma_wait3A_377, %mul3A_235, %dma_wait3A_385] : memref<8x128x128xf32, #tpu.memory_space<hbm>> -> memref<1x4x128xf32, #tpu.memory_space<hbm>>
    %dma_wait3A_387 = tpu.memref_squeeze %dma_wait3A_386 : memref<1x4x128xf32, #tpu.memory_space<hbm>> -> memref<4x128xf32, #tpu.memory_space<hbm>>
    %dma_wait3A_388 = arith.constant 0 : i32
    %dma_wait3A_389 = arith.constant 0 : i32
    %dma_wait3A_390 = tpu.memref_slice %arg9[%dma_wait3A_376, %dma_wait3A_388, %dma_wait3A_389] : memref<8x4x128xf32, #tpu.memory_space<vmem>> -> memref<1x4x128xf32, #tpu.memory_space<vmem>>
    %dma_wait3A_391 = tpu.memref_squeeze %dma_wait3A_390 : memref<1x4x128xf32, #tpu.memory_space<vmem>> -> memref<4x128xf32, #tpu.memory_space<vmem>>
    tpu.wait_dma2 semaphore(%arg11 : memref<!tpu.dma_semaphore, #tpu.memory_space<semaphore_mem>>) src(%dma_wait3A_391 : memref<4x128xf32, #tpu.memory_space<vmem>>) dst(%dma_wait3A_387 : memref<4x128xf32, #tpu.memory_space<hbm>>)
    %dma_wait3A_392 = arith.constant 2 : i32
    %dma_wait3A_393 = arith.constant 2 : i32
    %dma_wait3A_394 = arith.constant 0 : i32
    %dma_wait3A_395 = arith.constant 0 : i32
    %dma_wait3A_396 = tpu.memref_slice %arg9[%dma_wait3A_392, %dma_wait3A_394, %dma_wait3A_395] : memref<8x4x128xf32, #tpu.memory_space<vmem>> -> memref<1x4x128xf32, #tpu.memory_space<vmem>>
    %dma_wait3A_397 = tpu.memref_squeeze %dma_wait3A_396 : memref<1x4x128xf32, #tpu.memory_space<vmem>> -> memref<4x128xf32, #tpu.memory_space<vmem>>
    %dma_wait3A_398 = arith.constant 0 : i32
    %dma_wait3A_399 = tpu.memref_slice %arg5[%dma_wait3A_393, %mul3A_253, %dma_wait3A_398] : memref<8x128x128xf32, #tpu.memory_space<hbm>> -> memref<1x4x128xf32, #tpu.memory_space<hbm>>
    %dma_wait3A_400 = tpu.memref_squeeze %dma_wait3A_399 : memref<1x4x128xf32, #tpu.memory_space<hbm>> -> memref<4x128xf32, #tpu.memory_space<hbm>>
    %dma_wait3A_401 = arith.constant 0 : i32
    %dma_wait3A_402 = tpu.memref_slice %arg5[%dma_wait3A_393, %mul3A_253, %dma_wait3A_401] : memref<8x128x128xf32, #tpu.memory_space<hbm>> -> memref<1x4x128xf32, #tpu.memory_space<hbm>>
    %dma_wait3A_403 = tpu.memref_squeeze %dma_wait3A_402 : memref<1x4x128xf32, #tpu.memory_space<hbm>> -> memref<4x128xf32, #tpu.memory_space<hbm>>
    %dma_wait3A_404 = arith.constant 0 : i32
    %dma_wait3A_405 = arith.constant 0 : i32
    %dma_wait3A_406 = tpu.memref_slice %arg9[%dma_wait3A_392, %dma_wait3A_404, %dma_wait3A_405] : memref<8x4x128xf32, #tpu.memory_space<vmem>> -> memref<1x4x128xf32, #tpu.memory_space<vmem>>
    %dma_wait3A_407 = tpu.memref_squeeze %dma_wait3A_406 : memref<1x4x128xf32, #tpu.memory_space<vmem>> -> memref<4x128xf32, #tpu.memory_space<vmem>>
    tpu.wait_dma2 semaphore(%arg11 : memref<!tpu.dma_semaphore, #tpu.memory_space<semaphore_mem>>) src(%dma_wait3A_407 : memref<4x128xf32, #tpu.memory_space<vmem>>) dst(%dma_wait3A_403 : memref<4x128xf32, #tpu.memory_space<hbm>>)
    %dma_wait3A_408 = arith.constant 3 : i32
    %dma_wait3A_409 = arith.constant 3 : i32
    %dma_wait3A_410 = arith.constant 0 : i32
    %dma_wait3A_411 = arith.constant 0 : i32
    %dma_wait3A_412 = tpu.memref_slice %arg9[%dma_wait3A_408, %dma_wait3A_410, %dma_wait3A_411] : memref<8x4x128xf32, #tpu.memory_space<vmem>> -> memref<1x4x128xf32, #tpu.memory_space<vmem>>
    %dma_wait3A_413 = tpu.memref_squeeze %dma_wait3A_412 : memref<1x4x128xf32, #tpu.memory_space<vmem>> -> memref<4x128xf32, #tpu.memory_space<vmem>>
    %dma_wait3A_414 = arith.constant 0 : i32
    %dma_wait3A_415 = tpu.memref_slice %arg5[%dma_wait3A_409, %mul3A_271, %dma_wait3A_414] : memref<8x128x128xf32, #tpu.memory_space<hbm>> -> memref<1x4x128xf32, #tpu.memory_space<hbm>>
    %dma_wait3A_416 = tpu.memref_squeeze %dma_wait3A_415 : memref<1x4x128xf32, #tpu.memory_space<hbm>> -> memref<4x128xf32, #tpu.memory_space<hbm>>
    %dma_wait3A_417 = arith.constant 0 : i32
    %dma_wait3A_418 = tpu.memref_slice %arg5[%dma_wait3A_409, %mul3A_271, %dma_wait3A_417] : memref<8x128x128xf32, #tpu.memory_space<hbm>> -> memref<1x4x128xf32, #tpu.memory_space<hbm>>
    %dma_wait3A_419 = tpu.memref_squeeze %dma_wait3A_418 : memref<1x4x128xf32, #tpu.memory_space<hbm>> -> memref<4x128xf32, #tpu.memory_space<hbm>>
    %dma_wait3A_420 = arith.constant 0 : i32
    %dma_wait3A_421 = arith.constant 0 : i32
    %dma_wait3A_422 = tpu.memref_slice %arg9[%dma_wait3A_408, %dma_wait3A_420, %dma_wait3A_421] : memref<8x4x128xf32, #tpu.memory_space<vmem>> -> memref<1x4x128xf32, #tpu.memory_space<vmem>>
    %dma_wait3A_423 = tpu.memref_squeeze %dma_wait3A_422 : memref<1x4x128xf32, #tpu.memory_space<vmem>> -> memref<4x128xf32, #tpu.memory_space<vmem>>
    tpu.wait_dma2 semaphore(%arg11 : memref<!tpu.dma_semaphore, #tpu.memory_space<semaphore_mem>>) src(%dma_wait3A_423 : memref<4x128xf32, #tpu.memory_space<vmem>>) dst(%dma_wait3A_419 : memref<4x128xf32, #tpu.memory_space<hbm>>)
    %dma_wait3A_424 = arith.constant 4 : i32
    %dma_wait3A_425 = arith.constant 4 : i32
    %dma_wait3A_426 = arith.constant 0 : i32
    %dma_wait3A_427 = arith.constant 0 : i32
    %dma_wait3A_428 = tpu.memref_slice %arg9[%dma_wait3A_424, %dma_wait3A_426, %dma_wait3A_427] : memref<8x4x128xf32, #tpu.memory_space<vmem>> -> memref<1x4x128xf32, #tpu.memory_space<vmem>>
    %dma_wait3A_429 = tpu.memref_squeeze %dma_wait3A_428 : memref<1x4x128xf32, #tpu.memory_space<vmem>> -> memref<4x128xf32, #tpu.memory_space<vmem>>
    %dma_wait3A_430 = arith.constant 0 : i32
    %dma_wait3A_431 = tpu.memref_slice %arg5[%dma_wait3A_425, %mul3A_289, %dma_wait3A_430] : memref<8x128x128xf32, #tpu.memory_space<hbm>> -> memref<1x4x128xf32, #tpu.memory_space<hbm>>
    %dma_wait3A_432 = tpu.memref_squeeze %dma_wait3A_431 : memref<1x4x128xf32, #tpu.memory_space<hbm>> -> memref<4x128xf32, #tpu.memory_space<hbm>>
    %dma_wait3A_433 = arith.constant 0 : i32
    %dma_wait3A_434 = tpu.memref_slice %arg5[%dma_wait3A_425, %mul3A_289, %dma_wait3A_433] : memref<8x128x128xf32, #tpu.memory_space<hbm>> -> memref<1x4x128xf32, #tpu.memory_space<hbm>>
    %dma_wait3A_435 = tpu.memref_squeeze %dma_wait3A_434 : memref<1x4x128xf32, #tpu.memory_space<hbm>> -> memref<4x128xf32, #tpu.memory_space<hbm>>
    %dma_wait3A_436 = arith.constant 0 : i32
    %dma_wait3A_437 = arith.constant 0 : i32
    %dma_wait3A_438 = tpu.memref_slice %arg9[%dma_wait3A_424, %dma_wait3A_436, %dma_wait3A_437] : memref<8x4x128xf32, #tpu.memory_space<vmem>> -> memref<1x4x128xf32, #tpu.memory_space<vmem>>
    %dma_wait3A_439 = tpu.memref_squeeze %dma_wait3A_438 : memref<1x4x128xf32, #tpu.memory_space<vmem>> -> memref<4x128xf32, #tpu.memory_space<vmem>>
    tpu.wait_dma2 semaphore(%arg11 : memref<!tpu.dma_semaphore, #tpu.memory_space<semaphore_mem>>) src(%dma_wait3A_439 : memref<4x128xf32, #tpu.memory_space<vmem>>) dst(%dma_wait3A_435 : memref<4x128xf32, #tpu.memory_space<hbm>>)
    %dma_wait3A_440 = arith.constant 5 : i32
    %dma_wait3A_441 = arith.constant 5 : i32
    %dma_wait3A_442 = arith.constant 0 : i32
    %dma_wait3A_443 = arith.constant 0 : i32
    %dma_wait3A_444 = tpu.memref_slice %arg9[%dma_wait3A_440, %dma_wait3A_442, %dma_wait3A_443] : memref<8x4x128xf32, #tpu.memory_space<vmem>> -> memref<1x4x128xf32, #tpu.memory_space<vmem>>
    %dma_wait3A_445 = tpu.memref_squeeze %dma_wait3A_444 : memref<1x4x128xf32, #tpu.memory_space<vmem>> -> memref<4x128xf32, #tpu.memory_space<vmem>>
    %dma_wait3A_446 = arith.constant 0 : i32
    %dma_wait3A_447 = tpu.memref_slice %arg5[%dma_wait3A_441, %mul3A_307, %dma_wait3A_446] : memref<8x128x128xf32, #tpu.memory_space<hbm>> -> memref<1x4x128xf32, #tpu.memory_space<hbm>>
    %dma_wait3A_448 = tpu.memref_squeeze %dma_wait3A_447 : memref<1x4x128xf32, #tpu.memory_space<hbm>> -> memref<4x128xf32, #tpu.memory_space<hbm>>
    %dma_wait3A_449 = arith.constant 0 : i32
    %dma_wait3A_450 = tpu.memref_slice %arg5[%dma_wait3A_441, %mul3A_307, %dma_wait3A_449] : memref<8x128x128xf32, #tpu.memory_space<hbm>> -> memref<1x4x128xf32, #tpu.memory_space<hbm>>
    %dma_wait3A_451 = tpu.memref_squeeze %dma_wait3A_450 : memref<1x4x128xf32, #tpu.memory_space<hbm>> -> memref<4x128xf32, #tpu.memory_space<hbm>>
    %dma_wait3A_452 = arith.constant 0 : i32
    %dma_wait3A_453 = arith.constant 0 : i32
    %dma_wait3A_454 = tpu.memref_slice %arg9[%dma_wait3A_440, %dma_wait3A_452, %dma_wait3A_453] : memref<8x4x128xf32, #tpu.memory_space<vmem>> -> memref<1x4x128xf32, #tpu.memory_space<vmem>>
    %dma_wait3A_455 = tpu.memref_squeeze %dma_wait3A_454 : memref<1x4x128xf32, #tpu.memory_space<vmem>> -> memref<4x128xf32, #tpu.memory_space<vmem>>
    tpu.wait_dma2 semaphore(%arg11 : memref<!tpu.dma_semaphore, #tpu.memory_space<semaphore_mem>>) src(%dma_wait3A_455 : memref<4x128xf32, #tpu.memory_space<vmem>>) dst(%dma_wait3A_451 : memref<4x128xf32, #tpu.memory_space<hbm>>)
    %dma_wait3A_456 = arith.constant 6 : i32
    %dma_wait3A_457 = arith.constant 6 : i32
    %dma_wait3A_458 = arith.constant 0 : i32
    %dma_wait3A_459 = arith.constant 0 : i32
    %dma_wait3A_460 = tpu.memref_slice %arg9[%dma_wait3A_456, %dma_wait3A_458, %dma_wait3A_459] : memref<8x4x128xf32, #tpu.memory_space<vmem>> -> memref<1x4x128xf32, #tpu.memory_space<vmem>>
    %dma_wait3A_461 = tpu.memref_squeeze %dma_wait3A_460 : memref<1x4x128xf32, #tpu.memory_space<vmem>> -> memref<4x128xf32, #tpu.memory_space<vmem>>
    %dma_wait3A_462 = arith.constant 0 : i32
    %dma_wait3A_463 = tpu.memref_slice %arg5[%dma_wait3A_457, %mul3A_325, %dma_wait3A_462] : memref<8x128x128xf32, #tpu.memory_space<hbm>> -> memref<1x4x128xf32, #tpu.memory_space<hbm>>
    %dma_wait3A_464 = tpu.memref_squeeze %dma_wait3A_463 : memref<1x4x128xf32, #tpu.memory_space<hbm>> -> memref<4x128xf32, #tpu.memory_space<hbm>>
    %dma_wait3A_465 = arith.constant 0 : i32
    %dma_wait3A_466 = tpu.memref_slice %arg5[%dma_wait3A_457, %mul3A_325, %dma_wait3A_465] : memref<8x128x128xf32, #tpu.memory_space<hbm>> -> memref<1x4x128xf32, #tpu.memory_space<hbm>>
    %dma_wait3A_467 = tpu.memref_squeeze %dma_wait3A_466 : memref<1x4x128xf32, #tpu.memory_space<hbm>> -> memref<4x128xf32, #tpu.memory_space<hbm>>
    %dma_wait3A_468 = arith.constant 0 : i32
    %dma_wait3A_469 = arith.constant 0 : i32
    %dma_wait3A_470 = tpu.memref_slice %arg9[%dma_wait3A_456, %dma_wait3A_468, %dma_wait3A_469] : memref<8x4x128xf32, #tpu.memory_space<vmem>> -> memref<1x4x128xf32, #tpu.memory_space<vmem>>
    %dma_wait3A_471 = tpu.memref_squeeze %dma_wait3A_470 : memref<1x4x128xf32, #tpu.memory_space<vmem>> -> memref<4x128xf32, #tpu.memory_space<vmem>>
    tpu.wait_dma2 semaphore(%arg11 : memref<!tpu.dma_semaphore, #tpu.memory_space<semaphore_mem>>) src(%dma_wait3A_471 : memref<4x128xf32, #tpu.memory_space<vmem>>) dst(%dma_wait3A_467 : memref<4x128xf32, #tpu.memory_space<hbm>>)
    %dma_wait3A_472 = arith.constant 7 : i32
    %dma_wait3A_473 = arith.constant 7 : i32
    %dma_wait3A_474 = arith.constant 0 : i32
    %dma_wait3A_475 = arith.constant 0 : i32
    %dma_wait3A_476 = tpu.memref_slice %arg9[%dma_wait3A_472, %dma_wait3A_474, %dma_wait3A_475] : memref<8x4x128xf32, #tpu.memory_space<vmem>> -> memref<1x4x128xf32, #tpu.memory_space<vmem>>
    %dma_wait3A_477 = tpu.memref_squeeze %dma_wait3A_476 : memref<1x4x128xf32, #tpu.memory_space<vmem>> -> memref<4x128xf32, #tpu.memory_space<vmem>>
    %dma_wait3A_478 = arith.constant 0 : i32
    %dma_wait3A_479 = tpu.memref_slice %arg5[%dma_wait3A_473, %mul3A_343, %dma_wait3A_478] : memref<8x128x128xf32, #tpu.memory_space<hbm>> -> memref<1x4x128xf32, #tpu.memory_space<hbm>>
    %dma_wait3A_480 = tpu.memref_squeeze %dma_wait3A_479 : memref<1x4x128xf32, #tpu.memory_space<hbm>> -> memref<4x128xf32, #tpu.memory_space<hbm>>
    %dma_wait3A_481 = arith.constant 0 : i32
    %dma_wait3A_482 = tpu.memref_slice %arg5[%dma_wait3A_473, %mul3A_343, %dma_wait3A_481] : memref<8x128x128xf32, #tpu.memory_space<hbm>> -> memref<1x4x128xf32, #tpu.memory_space<hbm>>
    %dma_wait3A_483 = tpu.memref_squeeze %dma_wait3A_482 : memref<1x4x128xf32, #tpu.memory_space<hbm>> -> memref<4x128xf32, #tpu.memory_space<hbm>>
    %dma_wait3A_484 = arith.constant 0 : i32
    %dma_wait3A_485 = arith.constant 0 : i32
    %dma_wait3A_486 = tpu.memref_slice %arg9[%dma_wait3A_472, %dma_wait3A_484, %dma_wait3A_485] : memref<8x4x128xf32, #tpu.memory_space<vmem>> -> memref<1x4x128xf32, #tpu.memory_space<vmem>>
    %dma_wait3A_487 = tpu.memref_squeeze %dma_wait3A_486 : memref<1x4x128xf32, #tpu.memory_space<vmem>> -> memref<4x128xf32, #tpu.memory_space<vmem>>
    tpu.wait_dma2 semaphore(%arg11 : memref<!tpu.dma_semaphore, #tpu.memory_space<semaphore_mem>>) src(%dma_wait3A_487 : memref<4x128xf32, #tpu.memory_space<vmem>>) dst(%dma_wait3A_483 : memref<4x128xf32, #tpu.memory_space<hbm>>)
    return
  }
}

</mosaic_0001>

<sc_bundles>
// kernel: _sc_gather.3.cloned.1.call-start
scs
__scs_entry_jumppad:
0x0: {  	(pc) =	sbr.rel $0x88, $3  }
0x1: {  	(tag) =	ssettag $0x0;
	lr =	simm.s32 $0x1  }
0x2: {  	[smem:$0x3F9E] =	sst lr;
	_ =	strace $0xD0000000  }
0x3: {  	_ = 	snop  }
0x4: {  	_ = 	snop  }
0x5: {  	_ = 	snop  }
0x6: {  	_ = 	snop  }
0x7: {  	_ = 	snop  }
__scs_overlays_trampoline_lowered:
0x8: {  	[smem:$0x3FAD] =	sst s0  }
0x9: {  	[smem:$0x3FAE] =	sst s1  }
0xa: {  	[smem:$0x3FAF] =	sst s2  }
0xb: {  	[smem:$0x3FB0] =	sst s3  }
0xc: {  	[smem:$0x3FB1] =	sst s4  }
0xd: {  	[smem:$0x3FB2] =	sst s5  }
0xe: {  	[smem:$0x3FB3] =	sst s6  }
0xf: {  	[smem:$0x3FB4] =	sst s7  }
0x10: {  	[smem:$0x3FB5] =	sst s8  }
0x11: {  	[smem:$0x3FB6] =	sst s9;
	s0 =	simm.s32 @!p0 $0x0  }
0x12: {  	s1 =	sld [smem:$0x3F9C];
	s0 =	simm.s32 @p0 $0x1  }
0x13: {  	[smem:$0x3FB7] =	sst s0;
	s0 =	simm.s32 @!p1 $0x0  }
0x14: {  	s2 =	sld [smem:$0x3F9B];
	s0 =	simm.s32 @p1 $0x1  }
0x15: {  	[smem:$0x3FB8] =	sst s0;
	s0 =	simm.s32 @!p2 $0x0  }
0x16: {  	s3 =	sld [smem:$0x3FDB];
	s0 =	simm.s32 @p2 $0x1  }
0x17: {  	s4 =	simm.s32 $0x1BF5;
	[smem:$0x3FBA] =	sst s0  }
0x18: {  	s0 =	sld [smem:$0x3F9D];
	_ =	swait.ge [sflag:s4], $0x0  }
0x19: {  	s7 =	sld [smem:$0x3F9E]  }
0x1a: {  	s8 =	sadd.s32 $0xFFFFE003, lr  }
0x1b: {  	s9 =	sadd.s32 $0xFFFFFEF7, lr;
	s5 =	simm.s32 $0xFFFFFFFF;
	p2 =	slt.u32 s8, $0xFFFFF086  }
0x1c: {  	p1 =	slt.u32 s9, $0xF7A;
	s5 =	simm.s32 @!p2 $0x0  }
0x1d: {  	s5 =	simm.s32 @p1 $0x1;
	p0 =	seq.s32 s7, s2  }
0x1e: {  	s7 =	smul.u32 @!p0 $0xF7A, s2;
	p2 =	seq.s32 @!p0 s5, $0x0  }
0x1f: {  	s9 =	smul.u32 $0xF7A, s1;
	s8 =	simm.s32 @!p0 $0x1BF5;
	p2 =	por !p2, p0  }
0x20: {  	[sflag:s8] =	ssyncset.s32 @!p0 $0xFFFFF086;
	s6 =	sadd.s32 @!p0 s3, s7;
	s7 =	simm.s32 @!p0 $0x108  }
0x21: {  	s3 =	sadd.s32 s3, s9;
	s6 =	sadd.s32 @!p0 $0x88, s6;
	s7 =	simm.s32 @p2 $0x1082  }
0x22: {  	[simem:s7], [sflag:s8] =	dma.local @!p0 [hbm:s6], $0xF7A  }
0x23: {  	s9 =	sor.u32 $0xD0000000, s2;
	s6 =	simm.s32 $0x108;
	_ =	swait.ge @!p0 [sflag:s8], $0x0  }
0x24: {  	s3 =	sadd.s32 $0x88, s3;
	s6 =	simm.s32 @!p1 $0x1082;
	[sflag:s4] =	ssyncset.s32 $0xFFFFF086  }
0x25: {  	[simem:s6], [sflag:s4] =	dma.local [hbm:s3], $0xF7A  }
0x26: {  	[smem:$0x3F9E] =	sst s1;
	(tag) =	ssettag s2;
	_ =	strace s9  }
0x27: {  	s1 =	sld [smem:$0x3FAE]  }
0x28: {  	s2 =	sld [smem:$0x3FAF]  }
0x29: {  	s4 =	sld [smem:$0x3FB1]  }
0x2a: {  	p0 =	seq.s32 s5, $0x0;
	s5 =	sld [smem:$0x3FB2]  }
0x2b: {  	s6 =	sld [smem:$0x3FB3]  }
0x2c: {  	s7 =	sld [smem:$0x3FB4]  }
0x2d: {  	s3 =	simm.s32 $0x108;
	s8 =	sld [smem:$0x3FB5]  }
0x2e: {  	s3 =	simm.s32 @!p0 $0x1082;
	s9 =	sld [smem:$0x3FB6]  }
0x2f: {  	lr =	sadd.s32 s0, s3;
	s0 =	sld [smem:$0x3FAD]  }
0x30: {  	s3 =	sld [smem:$0x3FB0]  }
0x31: {  	[smem:$0x3FB9] =	sst s10  }
0x32: {  	s10 =	sld [smem:$0x3FB7];
	_ =	sdelay $0x3  }
0x33: {  	p0 =	seq.s32 s10, $0x1;
	s10 =	sld [smem:$0x3FB9];
	_ =	sdelay $0x3  }
0x34: {  	[smem:$0x3FB9] =	sst s10  }
0x35: {  	s10 =	sld [smem:$0x3FB8];
	_ =	sdelay $0x3  }
0x36: {  	p1 =	seq.s32 s10, $0x1;
	s10 =	sld [smem:$0x3FB9];
	_ =	sdelay $0x3  }
0x37: {  	[smem:$0x3FB9] =	sst s10  }
0x38: {  	s10 =	sld [smem:$0x3FBA]  }
0x39: {  	_ = 	snop;
	(pc) =	sbr.ind lr, $3  }
0x3a: {  	_ = 	snop  }
0x3b: {  	_ = 	snop  }
0x3c: {  	p2 =	seq.s32 s10, $0x1;
	s10 =	sld [smem:$0x3FB9]  }
0x3d: {  	_ =	shalt  }
0x3e: {  	_ =	shalt  }
0x3f: {  	_ =	shalt  }
0x40: {  	_ =	shalt  }
0x41: {  	_ =	shalt  }
0x42: {  	_ =	shalt  }
0x43: {  	_ =	shalt  }
0x44: {  	_ =	shalt  }
0x45: {  	_ =	shalt  }
0x46: {  	_ =	shalt  }
0x47: {  	_ =	shalt  }
0x48: {  	_ =	shalt  }
0x49: {  	_ =	shalt  }
0x4a: {  	_ =	shalt  }
0x4b: {  	_ =	shalt  }
0x4c: {  	_ =	shalt  }
0x4d: {  	_ =	shalt  }
0x4e: {  	_ =	shalt  }
0x4f: {  	_ =	shalt  }
0x50: {  	_ =	shalt  }
0x51: {  	_ =	shalt  }
0x52: {  	_ =	shalt  }
0x53: {  	_ =	shalt  }
0x54: {  	_ =	shalt  }
0x55: {  	_ =	shalt  }
0x56: {  	_ =	shalt  }
0x57: {  	_ =	shalt  }
0x58: {  	_ =	shalt  }
0x59: {  	_ =	shalt  }
0x5a: {  	_ =	shalt  }
0x5b: {  	_ =	shalt  }
0x5c: {  	_ =	shalt  }
0x5d: {  	_ =	shalt  }
0x5e: {  	_ =	shalt  }
0x5f: {  	_ =	shalt  }
0x60: {  	_ =	shalt  }
0x61: {  	_ =	shalt  }
0x62: {  	_ =	shalt  }
0x63: {  	_ =	shalt  }
0x64: {  	_ =	shalt  }
0x65: {  	_ =	shalt  }
0x66: {  	_ =	shalt  }
0x67: {  	_ =	shalt  }
0x68: {  	_ =	shalt  }
0x69: {  	_ =	shalt  }
0x6a: {  	_ =	shalt  }
0x6b: {  	_ =	shalt  }
0x6c: {  	_ =	shalt  }
0x6d: {  	_ =	shalt  }
0x6e: {  	_ =	shalt  }
0x6f: {  	_ =	shalt  }
0x70: {  	_ =	shalt  }
0x71: {  	_ =	shalt  }
0x72: {  	_ =	shalt  }
0x73: {  	_ =	shalt  }
0x74: {  	_ =	shalt  }
0x75: {  	_ =	shalt  }
0x76: {  	_ =	shalt  }
0x77: {  	_ =	shalt  }
0x78: {  	_ =	shalt  }
0x79: {  	_ =	shalt  }
0x7a: {  	_ =	shalt  }
0x7b: {  	_ =	shalt  }
0x7c: {  	_ =	shalt  }
0x7d: {  	_ =	shalt  }
0x7e: {  	_ =	shalt  }
0x7f: {  	_ =	shalt  }
0x80: {  	_ =	shalt  }
0x81: {  	_ =	shalt  }
0x82: {  	_ =	shalt  }
0x83: {  	_ =	shalt  }
0x84: {  	_ =	shalt  }
0x85: {  	_ =	shalt  }
0x86: {  	_ =	shalt  }
0x87: {  	_ =	shalt  }
.Lfunc_end0:
.L_simem_size_0:
called_computation_lowered:
.L_overlay_start_0:
0x88: {  	s2 =	sld [smem:$0x3FD9]  }
0x89: {  	s3 =	sld [smem:$0x3FFE];
	_ =	sdelay $0x1  }
0x8a: {  	s1 =	srdreg.scid  }
0x8b: {  	s0 =	sand.u32 $0x1, s1  }
0x8c: {  	s18 =	sshll.u32 s0, $0xA;
	s2 =	sadd.s32 s3, s2  }
0x8d: {  	s2 =	sadd.s32 s2, s18  }
0x8e: {  	[smem:$0x3FC5] =	sst s2  }
0x8f: {  	_ = 	snop  }
0x90: {  	s2 =	sld [smem:$0x3FC9]  }
0x91: {  	s19 =	sld [smem:$0x3FC8]  }
0x92: {  	s4 =	sld [smem:$0x3FC7]  }
0x93: {  	s5 =	sld [smem:$0x3FD0];
	(tm) =	ssettm $0x1  }
0x94: {  	s6 =	sld [smem:$0x3FFB];
	_ =	sdelay $0x3  }
0x95: {  	_ =	strace s6  }
0x96: {  	s6 =	sld [smem:$0x3FFC];
	_ =	sdelay $0x3  }
0x97: {  	_ =	strace s6  }
0x98: {  	s6 =	sld [smem:$0x3FFD];
	_ =	sdelay $0x3  }
0x99: {  	_ =	strace s6  }
0x9a: {  	_ =	strace $0x8FFFFFFF  }
0x9b: {  	s20 =	sld [smem:$0x3FDB];
	_ =	sdelay $0x1  }
0x9c: {  	s7 =	simm.s32 $_scs_section_size  }
0x9d: {  	s8 =	simm.s32 $_size__tile_overlayer_lowered;
	s9 =	simm.s32 $_tile_overlayer_lowered  }
0x9e: {  	s23 =	simm.s32 $0x1BFF;
	s22 =	sshll.u32 s9, $0x1;
	s6 =	sadd.s32 s7, s20  }
0x9f: {  	s10 =	simm.s32 $0x0;
	s21 =	sshll.u32 s8, $0x1;
	s8 =	sadd.s32 s22, s6  }
0xa0: {  	[timem:s10], [sflag:s23] =	dma.local [hbm:s8], s21  }
0xa1: {  	_ =	swait.ge [sflag:s23], s21  }
0xa2: {  	s7 =	ssub.s32 $0x0, s21;
	[sflag:s23] =	ssyncset.done $0x0  }
0xa3: {  	[sflag:s23] =	ssyncadd.s32 s7;
	_ =	sdelay $0x1  }
0xa4: {  	s24 =	simm.s32 $0x1B8B  }
0xa5: {  	_ =	swait.ge [sflag:s24], $0x1  }
0xa6: {  	[sflag:s24] =	ssyncset.done $0x0  }
0xa7: {  	s25 =	simm.s32 $0x1B8E;
	[sflag:s24] =	ssyncadd.s32 $0xFFFFFFFF  }
0xa8: {  	s26 =	simm.s32 $execute0_lowered;
	[smem:$0x3FD2] =	sst s25  }
0xa9: {  	s7 =	sshll.u32 s26, $0x1;
	_ =	strace $0x80000046;
	[dreg:$0x1] =	wrdreg $0xFFFFFFFF  }
0xaa: {  	s28 =	simm.s32 $_size_execute0_lowered;
	s6 =	sadd.s32 s6, s7;
	[dreg:$0x0] =	wrdreg $0x0  }
0xab: {  	s7 =	sshll.u32 s28, $0x1;
	[dreg:$0x2] =	wrdreg s6  }
0xac: {  	[dreg:$0x3] =	wrdreg s7  }
0xad: {  	[dreg:$0x4] =	wrdreg $0xC0  }
0xae: {  	_ =	task [dreg:s10], $0x5FFFF  }
0xaf: {  	[dreg:$0x1] =	wrdreg $0xFFFFFFFF  }
0xb0: {  	[dreg:$0x0] =	wrdreg $0x60  }
0xb1: {  	[dreg:$0x2] =	wrdreg s2  }
0xb2: {  	[dreg:$0x3] =	wrdreg s19  }
0xb3: {  	[dreg:$0x4] =	wrdreg s4  }
0xb4: {  	[dreg:$0x5] =	wrdreg s5  }
0xb5: {  	[dreg:$0x6] =	wrdreg $0x9  }
0xb6: {  	_ =	task.clear_ibuf [dreg:s10], $0x7FFFF;
	_ =	strace $0x90000046  }
0xb7: {  	s29 =	simm.s32 $0x9;
	_ =	strace $0x80000048  }
0xb8: {  	_ =	swait.ge [sflag:s29], $0x1  }
0xb9: {  	[sflag:s29] =	ssyncadd.s32 $0xFFFFFFFF  }
0xba: {  	_ =	strace $0x90000048  }
0xbb: {  	_ =	sfence  }
0xbc: {  	s30 =	sld [smem:$0x0];
	_ =	sdelay $0x2  }
0xbd: {  	s31 =	sshll.u32 s1, $0xD;
	s1 =	sshrl.u32 s1, $0x2  }
0xbe: {  	s3 =	sand.u32 $0x4000, s31;
	s1 =	sadd.s32 s1, s30  }
0xbf: {  	s0 =	sor.u32 s3, s0;
	s1 =	sshll.u32 s1, $0x11  }
0xc0: {  	s0 =	sor.u32 s1, s0  }
0xc1: {  	s0 =	sadd.s32 $0x8F2B, s0  }
0xc2: {  	[sflag:s0] =	ssyncadd.remote.s32 $0x1  }
0xc3: {  	_ =	sfence.sel $0xFFFF  }
0xc4: {  	[dreg:$0x0] =	wrdreg $0xFFFFFFFF;
	(pc) =	sbr.abs _section_cstart, $3  }
0xc5: {  	[dreg:$0x1] =	wrdreg $0xFFFFFFFF  }
0xc6: {  	_ =	task.clear_ibuf [dreg:s10], $0x2FFFF;
	_ =	strace $0x9FFFFFFF  }
0xc7: {  	(tm) =	ssettm $0x7FFFFFFF  }
tec
execute0_lowered:
.L_overlay_start_1:
0x0: {  	(tag) =	ssettag $0x1  }
0x1: {  	s0 =	rddreg [dreg:$0x0]  }
0x2: {  	s4 =	srdreg.scid;
	s5 =	stileid.u32  }
0x3: {  	s1 =	rddreg [dreg:$0x1];
	s4 =	sand.u32 $0x1, s4;
	s5 =	sshll.u32 s5, $0x1  }
0x4: {  	s2 =	rddreg [dreg:$0x3];
	s3 =	simm.s32 $0x0;
	s5 =	sor.u32 s4, s5  }
0x5: {  	[smem:$0x7FF] =	sst s3;
	s8 =	sshll.u32 s5, $0x6;
	s9 =	sshll.u32 s5, $0x9  }
0x6: {  	_ =	strace $0x80000047;
	s1 =	sadd.s32 s1, s8;
	s5 =	sadd.s32 s0, s9  }
0x7: {  	s6 =	ssub.s32 $0x2, s4;
	[dreg:$0x5] =	wrdreg s1;
	s0 =	sadd.s32 $0x10, s5  }
0x8: {  	s8 =	sand.u32 $0x3C00, s9;
	s9 =	sadd.s32 $0x20, s5;
	[dreg:$0x6] =	wrdreg s0  }
0x9: {  	s7 =	sshrl.u32 s6, $0x1;
	s10 =	sadd.s32 $0x30, s5;
	[dreg:$0x7] =	wrdreg s9  }
0xa: {  	s6 =	ssub.s32 s6, s7;
	s11 =	sadd.s32 $0x40, s5;
	[dreg:$0x8] =	wrdreg s10  }
0xb: {  	s7 =	sshll.u32 s4, $0x9;
	s12 =	sadd.s32 $0x50, s5;
	[dreg:$0x9] =	wrdreg s11  }
0xc: {  	s13 =	sadd.s32 $0x60, s5;
	s14 =	sadd.s32 $0x70, s5;
	[dreg:$0xa] =	wrdreg s12  }
0xd: {  	s21 =	smax.u32 s6, $0x1;
	s22 =	sadd.s32 $0x80, s5;
	[dreg:$0xb] =	wrdreg s13  }
0xe: {  	s23 =	sadd.s32 $0x100, s5;
	s24 =	sadd.s32 $0x180, s5;
	[dreg:$0xc] =	wrdreg s14  }
0xf: {  	s25 =	sadd.s32 $0x90, s5;
	s26 =	sadd.s32 $0x110, s5;
	[dreg:$0x14] =	wrdreg s21  }
0x10: {  	s28 =	sadd.s32 $0x190, s5;
	s29 =	sadd.s32 $0xA0, s5;
	[dreg:$0x15] =	wrdreg s22  }
0x11: {  	s30 =	sadd.s32 $0x120, s5;
	s31 =	sadd.s32 $0x1A0, s5;
	[dreg:$0x16] =	wrdreg s23  }
0x12: {  	s1 =	sadd.s32 $0x1B0, s5;
	s0 =	sor.u32 s7, s8;
	[dreg:$0x17] =	wrdreg s24  }
0x13: {  	s4 =	sadd.s32 $0xC0, s5;
	[dreg:$0x18] =	wrdreg s25;
	s0 =	sshrl.u32 s0, $0x3  }
0x14: {  	s6 =	sadd.s32 $0x140, s5;
	[dreg:$0x19] =	wrdreg s26;
	s13 =	sadd.s32 s2, s0  }
0x15: {  	s7 =	sadd.s32 $0x1C0, s5;
	s8 =	sadd.s32 $0xD0, s5;
	s0 =	sadd.s32 $0x800, s13  }
0x16: {  	s9 =	sadd.s32 $0x150, s5;
	s15 =	sadd.s32 $0x1000, s13;
	[dreg:$0xd] =	wrdreg s0  }
0x17: {  	s10 =	sadd.s32 $0x1D0, s5;
	s16 =	sadd.s32 $0x1800, s13;
	[dreg:$0xe] =	wrdreg s15  }
0x18: {  	s11 =	sadd.s32 $0xE0, s5;
	s17 =	sadd.s32 $0x2000, s13;
	[dreg:$0xf] =	wrdreg s16  }
0x19: {  	s12 =	sadd.s32 $0x160, s5;
	s18 =	sadd.s32 $0x2800, s13;
	[dreg:$0x10] =	wrdreg s17  }
0x1a: {  	s14 =	sadd.s32 $0x1E0, s5;
	s19 =	sadd.s32 $0x3000, s13;
	[dreg:$0x11] =	wrdreg s18  }
0x1b: {  	s21 =	simm.s32 $0x0;
	s20 =	sadd.s32 $0x3800, s13;
	[dreg:$0x12] =	wrdreg s19  }
0x1c: {  	s2 =	sadd.s32 $0x130, s5;
	[dreg:$0x13] =	wrdreg s20;
	s0 =	sadd.s32 $0xB0, s5  }
0x1d: {  	s15 =	sadd.s32 $0xF0, s5;
	s16 =	sadd.s32 $0x170, s5;
	s17 =	sadd.s32 $0x1F0, s5  }
0x1e: {  	s18 =	simm.s32 $0x1200;
	s19 =	simm.s32 $0x1;
	s20 =	simm.s32 $0x2  }
.LBB2_1:
0x1f: {  	s22 =	rddreg [dreg:$0x2]  }
0x20: {  	[tilespmem:s18], [sflag:$0x1] =	stream.linear.gather [hbm4b:s22+s3], $0x1800, $0x38;
	[tilespmem:$0x3A00] =	vst v63  }
0x21: {  	s23 =	rddreg [dreg:$0x5];
	s22 =	simm.s32 $0x1000  }
0x22: {  	[tilespmem:s22], [sflag:$0x1] =	stream.linear.gather [hbm4b:s23+s3], $0x200, $0x38;
	[tilespmem:$0x3A00] =	vst v63  }
0x23: {  	_ = 	snop  }
0x24: {  	[tilespmem:s3], [sflag:$0x1] =	stream.linear.gather [hbm4b:s5+s3], $0x80, $0x38;
	[tilespmem:$0x3A00] =	vst v63  }
0x25: {  	s26 =	rddreg [dreg:$0x15];
	s24 =	simm.s32 $0x400  }
0x26: {  	[tilespmem:s24], [sflag:$0x1] =	stream.linear.gather [hbm4b:s26+s3], $0x80, $0x38;
	[tilespmem:$0x3A00] =	vst v63  }
0x27: {  	s25 =	rddreg [dreg:$0x16];
	s26 =	simm.s32 $0x800  }
0x28: {  	[tilespmem:s26], [sflag:$0x1] =	stream.linear.gather [hbm4b:s25+s3], $0x80, $0x38;
	[tilespmem:$0x3A00] =	vst v63  }
0x29: {  	s25 =	rddreg [dreg:$0x17];
	s26 =	simm.s32 $0xC00  }
0x2a: {  	[tilespmem:s26], [sflag:$0x1] =	stream.linear.gather [hbm4b:s25+s3], $0x80, $0x38;
	[tilespmem:$0x3A00] =	vst v63  }
0x2b: {  	s25 =	rddreg [dreg:$0x6];
	s26 =	simm.s32 $0x80  }
0x2c: {  	[tilespmem:s26], [sflag:$0x1] =	stream.linear.gather [hbm4b:s25+s3], $0x80, $0x38;
	[tilespmem:$0x3A00] =	vst v63  }
0x2d: {  	s25 =	rddreg [dreg:$0x18];
	s26 =	simm.s32 $0x480  }
0x2e: {  	[tilespmem:s26], [sflag:$0x1] =	stream.linear.gather [hbm4b:s25+s3], $0x80, $0x38;
	[tilespmem:$0x3A00] =	vst v63  }
0x2f: {  	s25 =	rddreg [dreg:$0x19];
	s26 =	simm.s32 $0x880  }
0x30: {  	[tilespmem:s26], [sflag:$0x1] =	stream.linear.gather [hbm4b:s25+s3], $0x80, $0x38;
	[tilespmem:$0x3A00] =	vst v63  }
0x31: {  	s24 =	simm.s32 $0xC80  }
0x32: {  	[tilespmem:s24], [sflag:$0x1] =	stream.linear.gather [hbm4b:s28+s3], $0x80, $0x38;
	[tilespmem:$0x3A00] =	vst v63  }
0x33: {  	s25 =	rddreg [dreg:$0x7];
	s26 =	simm.s32 $0x100  }
0x34: {  	[tilespmem:s26], [sflag:$0x1] =	stream.linear.gather [hbm4b:s25+s3], $0x80, $0x38;
	[tilespmem:$0x3A00] =	vst v63  }
0x35: {  	s25 =	simm.s32 $0x500  }
0x36: {  	[tilespmem:s25], [sflag:$0x1] =	stream.linear.gather [hbm4b:s29+s3], $0x80, $0x38;
	[tilespmem:$0x3A00] =	vst v63  }
0x37: {  	s26 =	simm.s32 $0x900  }
0x38: {  	[tilespmem:s26], [sflag:$0x1] =	stream.linear.gather [hbm4b:s30+s3], $0x80, $0x38;
	[tilespmem:$0x3A00] =	vst v63  }
0x39: {  	s24 =	simm.s32 $0xD00  }
0x3a: {  	[tilespmem:s24], [sflag:$0x1] =	stream.linear.gather [hbm4b:s31+s3], $0x80, $0x38;
	[tilespmem:$0x3A00] =	vst v63  }
0x3b: {  	s25 =	rddreg [dreg:$0x8];
	s26 =	simm.s32 $0x180  }
0x3c: {  	[tilespmem:s26], [sflag:$0x1] =	stream.linear.gather [hbm4b:s25+s3], $0x80, $0x38;
	[tilespmem:$0x3A00] =	vst v63  }
0x3d: {  	s25 =	simm.s32 $0x580  }
0x3e: {  	[tilespmem:s25], [sflag:$0x1] =	stream.linear.gather [hbm4b:s0+s3], $0x80, $0x38;
	[tilespmem:$0x3A00] =	vst v63  }
0x3f: {  	s26 =	simm.s32 $0x980  }
0x40: {  	[tilespmem:s26], [sflag:$0x1] =	stream.linear.gather [hbm4b:s2+s3], $0x80, $0x38;
	[tilespmem:$0x3A00] =	vst v63  }
0x41: {  	s24 =	simm.s32 $0xD80  }
0x42: {  	[tilespmem:s24], [sflag:$0x1] =	stream.linear.gather [hbm4b:s1+s3], $0x80, $0x38;
	[tilespmem:$0x3A00] =	vst v63  }
0x43: {  	s25 =	rddreg [dreg:$0x9];
	s26 =	simm.s32 $0x200  }
0x44: {  	[tilespmem:s26], [sflag:$0x1] =	stream.linear.gather [hbm4b:s25+s3], $0x80, $0x38;
	[tilespmem:$0x3A00] =	vst v63  }
0x45: {  	s25 =	simm.s32 $0x600  }
0x46: {  	[tilespmem:s25], [sflag:$0x1] =	stream.linear.gather [hbm4b:s4+s3], $0x80, $0x38;
	[tilespmem:$0x3A00] =	vst v63  }
0x47: {  	s26 =	simm.s32 $0xA00  }
0x48: {  	[tilespmem:s26], [sflag:$0x1] =	stream.linear.gather [hbm4b:s6+s3], $0x80, $0x38;
	[tilespmem:$0x3A00] =	vst v63  }
0x49: {  	s24 =	simm.s32 $0xE00  }
0x4a: {  	[tilespmem:s24], [sflag:$0x1] =	stream.linear.gather [hbm4b:s7+s3], $0x80, $0x38;
	[tilespmem:$0x3A00] =	vst v63  }
0x4b: {  	s25 =	rddreg [dreg:$0xa];
	s26 =	simm.s32 $0x280  }
0x4c: {  	[tilespmem:s26], [sflag:$0x1] =	stream.linear.gather [hbm4b:s25+s3], $0x80, $0x38;
	[tilespmem:$0x3A00] =	vst v63  }
0x4d: {  	s25 =	simm.s32 $0x680  }
0x4e: {  	[tilespmem:s25], [sflag:$0x1] =	stream.linear.gather [hbm4b:s8+s3], $0x80, $0x38;
	[tilespmem:$0x3A00] =	vst v63  }
0x4f: {  	s26 =	simm.s32 $0xA80  }
0x50: {  	[tilespmem:s26], [sflag:$0x1] =	stream.linear.gather [hbm4b:s9+s3], $0x80, $0x38;
	[tilespmem:$0x3A00] =	vst v63  }
0x51: {  	s24 =	simm.s32 $0xE80  }
0x52: {  	[tilespmem:s24], [sflag:$0x1] =	stream.linear.gather [hbm4b:s10+s3], $0x80, $0x38;
	[tilespmem:$0x3A00] =	vst v63  }
0x53: {  	s25 =	rddreg [dreg:$0xb];
	s26 =	simm.s32 $0x300  }
0x54: {  	[tilespmem:s26], [sflag:$0x1] =	stream.linear.gather [hbm4b:s25+s3], $0x80, $0x38;
	[tilespmem:$0x3A00] =	vst v63  }
0x55: {  	s25 =	simm.s32 $0x700  }
0x56: {  	[tilespmem:s25], [sflag:$0x1] =	stream.linear.gather [hbm4b:s11+s3], $0x80, $0x38;
	[tilespmem:$0x3A00] =	vst v63  }
0x57: {  	s26 =	simm.s32 $0xB00  }
0x58: {  	[tilespmem:s26], [sflag:$0x1] =	stream.linear.gather [hbm4b:s12+s3], $0x80, $0x38;
	[tilespmem:$0x3A00] =	vst v63  }
0x59: {  	s24 =	simm.s32 $0xF00  }
0x5a: {  	[tilespmem:s24], [sflag:$0x1] =	stream.linear.gather [hbm4b:s14+s3], $0x80, $0x38;
	[tilespmem:$0x3A00] =	vst v63  }
0x5b: {  	s25 =	rddreg [dreg:$0xc];
	s26 =	simm.s32 $0x380  }
0x5c: {  	[tilespmem:s26], [sflag:$0x1] =	stream.linear.gather [hbm4b:s25+s3], $0x80, $0x38;
	[tilespmem:$0x3A00] =	vst v63  }
0x5d: {  	s24 =	simm.s32 $0x780  }
0x5e: {  	[tilespmem:s24], [sflag:$0x1] =	stream.linear.gather [hbm4b:s15+s3], $0x80, $0x38;
	[tilespmem:$0x3A00] =	vst v63  }
0x5f: {  	s25 =	simm.s32 $0xB80  }
0x60: {  	[tilespmem:s25], [sflag:$0x1] =	stream.linear.gather [hbm4b:s16+s3], $0x80, $0x38;
	[tilespmem:$0x3A00] =	vst v63  }
0x61: {  	s26 =	simm.s32 $0xF80  }
0x62: {  	[tilespmem:s26], [sflag:$0x1] =	stream.linear.gather [hbm4b:s17+s3], $0x80, $0x38;
	[tilespmem:$0x3A00] =	vst v63  }
0x63: {  	_ =	swait.ge [sflag:s19], $0x1800  }
0x64: {  	[sflag:s19] =	ssyncset.done $0x0  }
0x65: {  	[sflag:s19] =	ssyncadd.s32 $0xFFFFE800  }
0x66: {  	_ =	swait.ge [sflag:s19], $0x200  }
0x67: {  	[sflag:s19] =	ssyncset.done $0x0  }
0x68: {  	[sflag:s19] =	ssyncadd.s32 $0xFFFFFE00  }
0x69: {  	_ =	swait.ge [sflag:s19], $0x200  }
0x6a: {  	[sflag:s19] =	ssyncset.done $0x0  }
0x6b: {  	[sflag:s19] =	ssyncadd.s32 $0xFFFFFE00  }
0x6c: {  	_ =	swait.ge [sflag:s19], $0x200  }
0x6d: {  	[sflag:s19] =	ssyncset.done $0x0  }
0x6e: {  	[sflag:s19] =	ssyncadd.s32 $0xFFFFFE00  }
0x6f: {  	_ =	swait.ge [sflag:s19], $0x200  }
0x70: {  	[sflag:s19] =	ssyncset.done $0x0  }
0x71: {  	[sflag:s19] =	ssyncadd.s32 $0xFFFFFE00  }
0x72: {  	_ =	swait.ge [sflag:s19], $0x200  }
0x73: {  	[sflag:s19] =	ssyncset.done $0x0  }
0x74: {  	[sflag:s19] =	ssyncadd.s32 $0xFFFFFE00  }
0x75: {  	_ =	swait.ge [sflag:s19], $0x200  }
0x76: {  	[sflag:s19] =	ssyncset.done $0x0  }
0x77: {  	[sflag:s19] =	ssyncadd.s32 $0xFFFFFE00  }
0x78: {  	_ =	swait.ge [sflag:s19], $0x200  }
0x79: {  	[sflag:s19] =	ssyncset.done $0x0  }
0x7a: {  	[sflag:s19] =	ssyncadd.s32 $0xFFFFFE00  }
0x7b: {  	_ =	swait.ge [sflag:s19], $0x200  }
0x7c: {  	[sflag:s19] =	ssyncset.done $0x0  }
0x7d: {  	[sflag:s19] =	ssyncadd.s32 $0xFFFFFE00  }
0x7e: {  	_ =	swait.ge [sflag:s19], $0x200  }
0x7f: {  	[sflag:s19] =	ssyncset.done $0x0  }
0x80: {  	s23 =	simm.s32 $0x0;
	s24 =	simm.s32 $0x0;
	[sflag:s19] =	ssyncadd.s32 $0xFFFFFE00  }
.LBB2_2:
0x81: {  	s25 =	sand.u32 $0x70, s24;
	s26 =	sand.u32 $0xC00, s23  }
0x82: {  	s25 =	sor.u32 s25, s26  }
0x83: {  	v0 =	vld [tilespmem:s25+$0x0]  }
0x84: {  	v3 =	vld [tilespmem:s25+$0x80]  }
0x85: {  	v12 =	vld [tilespmem:s25+$0x100]  }
0x86: {  	v20 =	vld [tilespmem:s25+$0x180];
	_ =	sdelay $0x1  }
0x87: {  	v28 =	vld [tilespmem:s25+$0x200]  }
0x88: {  	v1 =	vshll.u32 v0, $0x3;
	v0 =	vand.u32 $0x7F, v0  }
0x89: {  	v36 =	vld [tilespmem:s25+$0x280];
	v10 =	vshll.u32 v3, $0x3;
	v3 =	vand.u32 $0x7F, v3;
	v18 =	vshll.u32 v12, $0x3  }
0x8a: {  	v12 =	vand.u32 $0x7F, v12;
	v26 =	vshll.u32 v20, $0x3;
	v1 =	vand.u32 $0xFFFFFC00, v1  }
0x8b: {  	v20 =	vand.u32 $0x7F, v20;
	v10 =	vand.u32 $0xFFFFFC00, v10;
	v0 =	vor.u32 v0, v1  }
0x8c: {  	v34 =	vshll.u32 v28, $0x3;
	v18 =	vand.u32 $0xFFFFFC00, v18;
	v3 =	vor.u32 v3, v10  }
0x8d: {  	v5 =	vld [tilespmem:s22+$0x0];
	s26 =	sor.u32 s23, s24;
	v28 =	vand.u32 $0x7F, v28;
	v26 =	vand.u32 $0xFFFFFC00, v26;
	v12 =	vor.u32 v12, v18  }
0x8e: {  	v63 =	vld [tilespmem:s25+$0x300];
	s25 =	sor.u32 $0x380, s26;
	v42 =	vshll.u32 v36, $0x3;
	v34 =	vand.u32 $0xFFFFFC00, v34;
	v20 =	vor.u32 v20, v26  }
0x8f: {  	v56 =	vld [tilespmem:s25+$0x0];
	v36 =	vand.u32 $0x7F, v36;
	v42 =	vand.u32 $0xFFFFFC00, v42;
	v28 =	vor.u32 v28, v34  }
0x90: {  	v36 =	vor.u32 v36, v42;
	v7 =	vld.idx.msk [tilespmem:v0+s18+$0x0], $0xffff  }
0x91: {  	v1 =	vor.u32 $0x80, v0;
	v15 =	vld.idx.msk [tilespmem:v3+s18+$0x0], $0xffff  }
0x92: {  	v2 =	vor.u32 $0x100, v0;
	v23 =	vld.idx.msk [tilespmem:v12+s18+$0x0], $0xffff  }
0x93: {  	v4 =	vor.u32 $0x180, v0;
	v31 =	vld.idx.msk [tilespmem:v20+s18+$0x0], $0xffff  }
0x94: {  	v6 =	vor.u32 $0x200, v0;
	v39 =	vld.idx.msk [tilespmem:v28+s18+$0x0], $0xffff  }
0x95: {  	v8 =	vor.u32 $0x280, v0;
	v48 =	vld.idx.msk [tilespmem:v36+s18+$0x0], $0xffff  }
0x96: {  	v9 =	vor.u32 $0x300, v0;
	v1 =	vld.idx.msk [tilespmem:v1+s18+$0x0], $0xffff  }
0x97: {  	v10 =	vor.u32 $0x80, v3;
	v2 =	vld.idx.msk [tilespmem:v2+s18+$0x0], $0xffff  }
0x98: {  	v11 =	vor.u32 $0x100, v3;
	v4 =	vld.idx.msk [tilespmem:v4+s18+$0x0], $0xffff  }
0x99: {  	v13 =	vor.u32 $0x180, v3;
	v6 =	vld.idx.msk [tilespmem:v6+s18+$0x0], $0xffff  }
0x9a: {  	v14 =	vor.u32 $0x200, v3;
	v8 =	vld.idx.msk [tilespmem:v8+s18+$0x0], $0xffff  }
0x9b: {  	v16 =	vor.u32 $0x280, v3;
	v9 =	vld.idx.msk [tilespmem:v9+s18+$0x0], $0xffff  }
0x9c: {  	v17 =	vor.u32 $0x300, v3;
	v10 =	vld.idx.msk [tilespmem:v10+s18+$0x0], $0xffff  }
0x9d: {  	v18 =	vor.u32 $0x80, v12;
	v11 =	vld.idx.msk [tilespmem:v11+s18+$0x0], $0xffff  }
0x9e: {  	v19 =	vor.u32 $0x100, v12;
	v13 =	vld.idx.msk [tilespmem:v13+s18+$0x0], $0xffff  }
0x9f: {  	v21 =	vor.u32 $0x180, v12;
	v14 =	vld.idx.msk [tilespmem:v14+s18+$0x0], $0xffff  }
0xa0: {  	v22 =	vor.u32 $0x200, v12;
	v16 =	vld.idx.msk [tilespmem:v16+s18+$0x0], $0xffff  }
0xa1: {  	v24 =	vor.u32 $0x280, v12;
	v17 =	vld.idx.msk [tilespmem:v17+s18+$0x0], $0xffff  }
0xa2: {  	v25 =	vor.u32 $0x300, v12;
	v18 =	vld.idx.msk [tilespmem:v18+s18+$0x0], $0xffff  }
0xa3: {  	v26 =	vor.u32 $0x80, v20;
	v19 =	vld.idx.msk [tilespmem:v19+s18+$0x0], $0xffff  }
0xa4: {  	v27 =	vor.u32 $0x100, v20;
	v21 =	vld.idx.msk [tilespmem:v21+s18+$0x0], $0xffff  }
0xa5: {  	v29 =	vor.u32 $0x180, v20;
	v22 =	vld.idx.msk [tilespmem:v22+s18+$0x0], $0xffff  }
0xa6: {  	v30 =	vor.u32 $0x200, v20;
	v24 =	vld.idx.msk [tilespmem:v24+s18+$0x0], $0xffff  }
0xa7: {  	v32 =	vor.u32 $0x280, v20;
	v25 =	vld.idx.msk [tilespmem:v25+s18+$0x0], $0xffff  }
0xa8: {  	v33 =	vor.u32 $0x300, v20;
	v26 =	vld.idx.msk [tilespmem:v26+s18+$0x0], $0xffff  }
0xa9: {  	v34 =	vor.u32 $0x80, v28;
	v27 =	vld.idx.msk [tilespmem:v27+s18+$0x0], $0xffff  }
0xaa: {  	v35 =	vor.u32 $0x100, v28;
	v29 =	vld.idx.msk [tilespmem:v29+s18+$0x0], $0xffff  }
0xab: {  	v37 =	vor.u32 $0x180, v28;
	v30 =	vld.idx.msk [tilespmem:v30+s18+$0x0], $0xffff  }
0xac: {  	v38 =	vor.u32 $0x200, v28;
	v32 =	vld.idx.msk [tilespmem:v32+s18+$0x0], $0xffff  }
0xad: {  	v40 =	vor.u32 $0x280, v28;
	v33 =	vld.idx.msk [tilespmem:v33+s18+$0x0], $0xffff  }
0xae: {  	v5 =	vcvt.s32.f32 v5;
	v42 =	vor.u32 $0x80, v36;
	v34 =	vld.idx.msk [tilespmem:v34+s18+$0x0], $0xffff  }
0xaf: {  	v44 =	vor.u32 $0x180, v36;
	v35 =	vld.idx.msk [tilespmem:v35+s18+$0x0], $0xffff  }
0xb0: {  	(erf) = vrcp.f32 v5;
	v45 =	vor.u32 $0x200, v36;
	v37 =	vld.idx.msk [tilespmem:v37+s18+$0x0], $0xffff  }
0xb1: {  	v52 =	vshll.u32 v63, $0x3;
	v41 =	vor.u32 $0x300, v28;
	v0 =	vor.u32 $0x380, v0;
	v38 =	vld.idx.msk [tilespmem:v38+s18+$0x0], $0xffff  }
0xb2: {  	v62 =	vor.u32 $0x100, v36;
	v50 =	vor.u32 $0x280, v36;
	v51 =	vor.u32 $0x300, v36;
	v40 =	vld.idx.msk [tilespmem:v40+s18+$0x0], $0xffff  }
0xb3: {  	v3 =	vor.u32 $0x380, v3;
	v49 =	vld.idx.msk [tilespmem:v42+s18+$0x0], $0xffff;
	v7 =	vadd.f32 $0.0e+00, v7;
	v1 =	vadd.f32 $0.0e+00, v1  }
0xb4: {  	v12 =	vor.u32 $0x380, v12;
	v53 =	vld.idx.msk [tilespmem:v44+s18+$0x0], $0xffff;
	v2 =	vadd.f32 $0.0e+00, v2;
	v4 =	vadd.f32 $0.0e+00, v4  }
0xb5: {  	v20 =	vor.u32 $0x380, v20;
	v54 =	vld.idx.msk [tilespmem:v45+s18+$0x0], $0xffff;
	v6 =	vadd.f32 $0.0e+00, v6;
	v8 =	vadd.f32 $0.0e+00, v8  }
0xb6: {  	v28 =	vor.u32 $0x380, v28;
	v0 =	vld.idx.msk [tilespmem:v0+s18+$0x0], $0xffff;
	v9 =	vadd.f32 $0.0e+00, v9;
	v7 =	vadd.f32 v15, v7  }
0xb7: {  	v36 =	vor.u32 $0x380, v36;
	v58 =	vld.idx.msk [tilespmem:v51+s18+$0x0], $0xffff;
	v1 =	vadd.f32 v10, v1;
	v2 =	vadd.f32 v11, v2  }
0xb8: {  	v3 =	vld.idx.msk [tilespmem:v3+s18+$0x0], $0xffff;
	v15 =	vand.u32 $0x7F, v63;
	v4 =	vadd.f32 v13, v4;
	v46 =	vadd.f32 v14, v6  }
0xb9: {  	v12 =	vld.idx.msk [tilespmem:v12+s18+$0x0], $0xffff;
	v47 =	vadd.f32 v16, v8;
	v9 =	vadd.f32 v17, v9;
	v17 =	vand.u32 $0xFFFFFC00, v52  }
0xba: {  	v11 =	vld.idx.msk [tilespmem:v41+s18+$0x0], $0xffff;
	v41 =	vshll.u32 v56, $0x3;
	v7 =	vadd.f32 v23, v7;
	v15 =	vor.u32 v15, v17  }
0xbb: {  	v13 =	vld.idx.msk [tilespmem:v28+s18+$0x0], $0xffff;
	v28 =	vand.u32 $0xFFFFFC00, v41;
	v0 =	vadd.f32 $0.0e+00, v0;
	v1 =	vadd.f32 v18, v1  }
0xbc: {  	v20 =	vld.idx.msk [tilespmem:v20+s18+$0x0], $0xffff;
	v2 =	vadd.f32 v19, v2;
	v4 =	vadd.f32 v21, v4;
	v55 =	vor.u32 $0x80, v15  }
0xbd: {  	v60 =	vld.idx.msk [tilespmem:v36+s18+$0x0], $0xffff;
	v5 =	vadd.f32 v22, v46;
	v6 =	vadd.f32 v24, v47;
	v57 =	vor.u32 $0x100, v15  }
0xbe: {  	v10 =	vld.idx.msk [tilespmem:v62+s18+$0x0], $0xffff;
	v9 =	vadd.f32 v25, v9;
	v59 =	vor.u32 $0x180, v15;
	v61 =	vor.u32 $0x200, v15  }
0xbf: {  	v14 =	vld.idx.msk [tilespmem:v50+s18+$0x0], $0xffff;
	v63 =	vor.u32 $0x280, v15;
	v7 =	vadd.f32 v31, v7;
	v0 =	vadd.f32 v3, v0  }
0xc0: {  	v36 =	vor.u32 $0x300, v15;
	v1 =	vadd.f32 v26, v1;
	v2 =	vadd.f32 v27, v2;
	v62 =	vld.idx.msk [tilespmem:v15+s18+$0x0], $0xffff  }
0xc1: {  	v19 =	vand.u32 $0x7F, v56;
	v4 =	vadd.f32 v29, v4;
	v5 =	vadd.f32 v30, v5;
	v18 =	vld.idx.msk [tilespmem:v55+s18+$0x0], $0xffff  }
0xc2: {  	v19 =	vor.u32 v19, v28;
	v6 =	vadd.f32 v32, v6;
	v9 =	vadd.f32 v33, v9;
	v21 =	vld.idx.msk [tilespmem:v57+s18+$0x0], $0xffff  }
0xc3: {  	v43 =	vor.u32 $0x80, v19;
	v7 =	vadd.f32 v39, v7;
	v0 =	vadd.f32 v12, v0;
	v16 =	vld.idx.msk [tilespmem:v59+s18+$0x0], $0xffff  }
0xc4: {  	v28 =	vor.u32 $0x100, v19;
	v1 =	vadd.f32 v34, v1;
	v2 =	vadd.f32 v35, v2;
	v42 =	vld.idx.msk [tilespmem:v61+s18+$0x0], $0xffff  }
0xc5: {  	v44 =	vor.u32 $0x180, v19;
	v4 =	vadd.f32 v37, v4;
	v5 =	vadd.f32 v38, v5;
	v26 =	vld.idx.msk [tilespmem:v63+s18+$0x0], $0xffff  }
0xc6: {  	v50 =	vor.u32 $0x300, v19;
	v6 =	vadd.f32 v40, v6;
	v9 =	vadd.f32 v11, v9;
	v27 =	vld.idx.msk [tilespmem:v36+s18+$0x0], $0xffff  }
0xc7: {  	v46 =	vor.u32 $0x200, v19;
	v7 =	vadd.f32 v48, v7;
	v0 =	vadd.f32 v20, v0;
	v47 =	vld.idx.msk [tilespmem:v19+s18+$0x0], $0xffff  }
0xc8: {  	v15 =	vor.u32 $0x380, v15;
	v1 =	vadd.f32 v49, v1;
	v2 =	vadd.f32 v10, v2;
	v49 =	vld.idx.msk [tilespmem:v43+s18+$0x0], $0xffff  }
0xc9: {  	v48 =	vor.u32 $0x280, v19;
	v4 =	vadd.f32 v53, v4;
	v5 =	vadd.f32 v54, v5;
	v51 =	vld.idx.msk [tilespmem:v28+s18+$0x0], $0xffff  }
0xca: {  	v52 =	vor.u32 $0x380, v19;
	v6 =	vadd.f32 v14, v6;
	v53 =	vld.idx.msk [tilespmem:v44+s18+$0x0], $0xffff;
	v0 =	vadd.f32 v13, v0  }
0xcb: {  	v9 =	vadd.f32 v58, v9;
	v56 =	vld.idx.msk [tilespmem:v50+s18+$0x0], $0xffff;
	v7 =	vadd.f32 v62, v7  }
0xcc: {  	v13 =	vld.idx.msk [tilespmem:v46+s18+$0x0], $0xffff;
	v0 =	vadd.f32 v60, v0;
	v1 =	vadd.f32 v18, v1  }
0xcd: {  	v45 =	vld.idx.msk [tilespmem:v15+s18+$0x0], $0xffff;
	v2 =	vadd.f32 v21, v2;
	v3 =	vadd.f32 v47, v7  }
0xce: {  	v55 =	vpop (erf);
	v54 =	vld.idx.msk [tilespmem:v48+s18+$0x0], $0xffff;
	v4 =	vadd.f32 v16, v4;
	v1 =	vadd.f32 v49, v1  }
0xcf: {  	v57 =	vld.idx.msk [tilespmem:v52+s18+$0x0], $0xffff;
	v9 =	vadd.f32 v27, v9;
	v2 =	vadd.f32 v51, v2;
	v3 =	vmul.f32 v3, v55  }
0xd0: {  	s26 =	sand.u32 $0x1F0, s24;
	v5 =	vadd.f32 v42, v5;
	v4 =	vadd.f32 v53, v4;
	v1 =	vmul.f32 v1, v55  }
0xd1: {  	v6 =	vadd.f32 v26, v6;
	v60 =	vadd.f32 v56, v9;
	v2 =	vmul.f32 v2, v55;
	[tilespmem:s26+$0x2A00] =	vst v3  }
0xd2: {  	v5 =	vadd.f32 v13, v5;
	v0 =	vadd.f32 v45, v0;
	v59 =	vmul.f32 v4, v55;
	[tilespmem:s26+$0x2C00] =	vst v1  }
0xd3: {  	p0 =	sne.s32 s24, $0x1F0;
	v63 =	vmul.f32 v60, v55;
	v58 =	vadd.f32 v54, v6;
	[tilespmem:s26+$0x2E00] =	vst v2  }
.Ltmp0:
0xd4: {  	v61 =	vmul.f32 v5, v55;
	v0 =	vadd.f32 v57, v0;
	[tilespmem:s26+$0x3000] =	vst v59;
	(pc) =	sbr.rel @p0 .LBB2_2-.Ltmp0, $4  }
0xd5: {  	[tilespmem:s26+$0x3600] =	vst v63;
	v62 =	vmul.f32 v58, v55  }
0xd6: {  	[tilespmem:s26+$0x3200] =	vst v61;
	v0 =	vmul.f32 v0, v55  }
0xd7: {  	[tilespmem:s26+$0x3400] =	vst v62  }
0xd8: {  	s22 =	sadd.s32 $0x10, s22;
	s23 =	sadd.s32 $0x80, s23;
	s24 =	sadd.s32 $0x10, s24;
	[tilespmem:s26+$0x3800] =	vst v0  }
0xd9: {  	s22 =	simm.s32 $0x2A00  }
0xda: {  	[hbm4b:s13+s3] =	stream.linear.scatter [tilespmem:s22], [sflag:$0x2], $0x200, $0x38;
	[tilespmem:$0x3A00] =	vst v63  }
0xdb: {  	s24 =	rddreg [dreg:$0xd];
	s23 =	simm.s32 $0x2C00  }
0xdc: {  	[hbm4b:s24+s3] =	stream.linear.scatter [tilespmem:s23], [sflag:$0x2], $0x200, $0x38;
	[tilespmem:$0x3A00] =	vst v63  }
0xdd: {  	s25 =	rddreg [dreg:$0xe];
	s26 =	simm.s32 $0x2E00  }
0xde: {  	[hbm4b:s25+s3] =	stream.linear.scatter [tilespmem:s26], [sflag:$0x2], $0x200, $0x38;
	[tilespmem:$0x3A00] =	vst v63  }
0xdf: {  	s23 =	rddreg [dreg:$0xf];
	s24 =	simm.s32 $0x3000  }
0xe0: {  	[hbm4b:s23+s3] =	stream.linear.scatter [tilespmem:s24], [sflag:$0x2], $0x200, $0x38;
	[tilespmem:$0x3A00] =	vst v63  }
0xe1: {  	s25 =	rddreg [dreg:$0x10];
	s26 =	simm.s32 $0x3200  }
0xe2: {  	[hbm4b:s25+s3] =	stream.linear.scatter [tilespmem:s26], [sflag:$0x2], $0x200, $0x38;
	[tilespmem:$0x3A00] =	vst v63  }
0xe3: {  	s23 =	rddreg [dreg:$0x11];
	s24 =	simm.s32 $0x3400  }
0xe4: {  	[hbm4b:s23+s3] =	stream.linear.scatter [tilespmem:s24], [sflag:$0x2], $0x200, $0x38;
	[tilespmem:$0x3A00] =	vst v63  }
0xe5: {  	s25 =	rddreg [dreg:$0x12];
	s26 =	simm.s32 $0x3600  }
0xe6: {  	[hbm4b:s25+s3] =	stream.linear.scatter [tilespmem:s26], [sflag:$0x2], $0x200, $0x38;
	[tilespmem:$0x3A00] =	vst v63  }
0xe7: {  	s24 =	rddreg [dreg:$0x13];
	s25 =	simm.s32 $0x3800  }
0xe8: {  	[hbm4b:s24+s3] =	stream.linear.scatter [tilespmem:s25], [sflag:$0x2], $0x200, $0x38;
	[tilespmem:$0x3A00] =	vst v63  }
0xe9: {  	_ =	swait.ge [sflag:s20], $0x200  }
0xea: {  	[sflag:s20] =	ssyncset.done $0x0  }
0xeb: {  	[sflag:s20] =	ssyncadd.s32 $0xFFFFFE00  }
0xec: {  	_ =	swait.ge [sflag:s20], $0x200  }
0xed: {  	[sflag:s20] =	ssyncset.done $0x0  }
0xee: {  	[sflag:s20] =	ssyncadd.s32 $0xFFFFFE00  }
0xef: {  	_ =	swait.ge [sflag:s20], $0x200  }
0xf0: {  	[sflag:s20] =	ssyncset.done $0x0  }
0xf1: {  	[sflag:s20] =	ssyncadd.s32 $0xFFFFFE00  }
0xf2: {  	_ =	swait.ge [sflag:s20], $0x200  }
0xf3: {  	[sflag:s20] =	ssyncset.done $0x0  }
0xf4: {  	[sflag:s20] =	ssyncadd.s32 $0xFFFFFE00  }
0xf5: {  	_ =	swait.ge [sflag:s20], $0x200  }
0xf6: {  	[sflag:s20] =	ssyncset.done $0x0  }
0xf7: {  	[sflag:s20] =	ssyncadd.s32 $0xFFFFFE00  }
0xf8: {  	_ =	swait.ge [sflag:s20], $0x200  }
0xf9: {  	[sflag:s20] =	ssyncset.done $0x0  }
0xfa: {  	[sflag:s20] =	ssyncadd.s32 $0xFFFFFE00  }
0xfb: {  	_ =	swait.ge [sflag:s20], $0x200  }
0xfc: {  	[sflag:s20] =	ssyncset.done $0x0  }
0xfd: {  	[sflag:s20] =	ssyncadd.s32 $0xFFFFFE00  }
0xfe: {  	_ =	swait.ge [sflag:s20], $0x200  }
0xff: {  	s21 =	sadd.s32 $0x1, s21;
	s26 =	rddreg [dreg:$0x14]  }
0x100: {  	p0 =	sne.s32 s21, s26  }
.Ltmp1:
0x101: {  	_ = 	snop;
	(pc) =	sbr.rel @p0 .LBB2_1-.Ltmp1, $3  }
0x102: {  	_ =	sdelay $0x1  }
0x103: {  	[sflag:s20] =	ssyncset.done $0x0  }
0x104: {  	[sflag:s20] =	ssyncadd.s32 $0xFFFFFE00  }
0x105: {  	_ =	sfence.sel $0x180000  }
0x106: {  	[bflag:$0x0] =	sbarrier.arrive $0xFFFF  }
0x107: {  	_ =	strace $0x90000047  }
0x108: {  	s0 =	stileid.u32;
	[bflag:$0x2] =	sbarrier.arrive $0xFFFF  }
0x109: {  	p0 =	sne.s32 s0, $0x0;
	s0 =	rddreg [dreg:$0x4]  }
0x10a: {  	s0 =	sadd.s32 @!p0 $0x100000, s0  }
0x10b: {  	[sflag:s0] =	ssyncadd.tile.s32 @!p0 $0x1;
	_ =	shalt  }
.Lfunc_end2:
_tile_overlayer_lowered:
.L_overlay_start_2:
0x10c: {  	(tag) =	ssettag $0x2  }
0x10d: {  	s0 =	rddreg [dreg:$0x0];
	s2 =	stileid.u32  }
0x10e: {  	s1 =	rddreg [dreg:$0x1];
	p0 =	sne.s32 s2, $0x0  }
0x10f: {  	s3 =	rddreg [dreg:$0x2];
	[bflag:$0x3] =	sbarrier.arrive $0xFFFF;
	s2 =	simm.s32 @!p0 $0x1C03  }
0x110: {  	[timem:s3], [sflag:s2] =	dma.local @!p0 [hbm:s0], s1  }
0x111: {  	s0 =	simm.s32 @!p0 $0x3  }
0x112: {  	_ =	swait.ge @!p0 [sflag:s0], s1  }
0x113: {  	s1 =	ssub.s32 @!p0 $0x0, s1;
	[sflag:s0] =	ssyncset.done @!p0 $0x0  }
0x114: {  	[sflag:s0] =	ssyncadd.s32 @!p0 s1  }
0x115: {  	[bflag:$0x3] =	sbarrier.arrive $0xFFFF  }
0x116: {  	_ =	shalt  }

</sc_bundles>
